<compile_context>
chip_gen: v7x
topology: tpu7x:2x2x1
jax: 0.10.2.dev20260603
libtpu: 0.0.44.dev20260713+nightly
codegen_flags: <defaults>
</compile_context>

<pallas_src>
import functools

import jax
import jax.numpy as jnp
from jax import lax
from jax.experimental import pallas as pl
from jax.experimental.pallas import tpu as pltpu
from jax.experimental.pallas import tpu_sc as plsc

EMB = 128
NV0, NV1, NV2 = 5, 6, 2
NT = NV0 * NV1 * NV2
N_E = 320000

NC, NS = 2, 16
NW = NC * NS
PER_W = N_E // NW
CHUNK = 200
NCHUNK = PER_W // CHUNK
GRPS = (128, 72)
NBUF = 3


def _table_body(w0_ref, w1_ref, w2_ref, t_ref):
    r = lax.broadcasted_iota(jnp.int32, (NT, 1), 0)
    oh0 = (r // (NV1 * NV2) == lax.broadcasted_iota(jnp.int32, (NT, NV0), 1))
    oh1 = ((r // NV2) % NV1 == lax.broadcasted_iota(jnp.int32, (NT, NV1), 1))
    oh2 = (r % NV2 == lax.broadcasted_iota(jnp.int32, (NT, NV2), 1))
    hi = lax.Precision.HIGHEST
    t = jnp.dot(oh0.astype(jnp.float32), w0_ref[...], precision=hi,
                preferred_element_type=jnp.float32)
    t = t + jnp.dot(oh1.astype(jnp.float32), w1_ref[...], precision=hi,
                    preferred_element_type=jnp.float32)
    t = t + jnp.dot(oh2.astype(jnp.float32), w2_ref[...], precision=hi,
                    preferred_element_type=jnp.float32)
    t_ref[...] = t


def _build_table(w0, w1, w2):
    return pl.pallas_call(
        _table_body,
        out_shape=jax.ShapeDtypeStruct((NT, EMB), jnp.float32),
    )(w0, w1, w2)


_mesh = plsc.VectorSubcoreMesh(core_axis_name="c", subcore_axis_name="s")


@functools.partial(
    pl.kernel,
    mesh=_mesh,
    out_type=jax.ShapeDtypeStruct((N_E, EMB), jnp.float32),
    scratch_types=[
        pltpu.VMEM_SHARED((NT, EMB), jnp.float32),
        pltpu.VMEM((PER_W,), jnp.int32),
        pltpu.VMEM((PER_W,), jnp.int32),
        pltpu.VMEM((PER_W,), jnp.int32),
        pltpu.VMEM((NBUF, CHUNK, EMB), jnp.float32),
        pltpu.SemaphoreType.DMA,
        pltpu.SemaphoreType.DMA,
        pltpu.SemaphoreType.DMA,
        pltpu.SemaphoreType.DMA,
        pltpu.SemaphoreType.DMA,
        pltpu.SemaphoreType.DMA,
    ],
)
def _gather_kernel(ea_hbm, t_hbm, out_hbm,
                   t_sh, codes, a1v, a2v, rows,
                   g0, g1, g2, s0, s1, s2):
    sid = lax.axis_index("s")
    wid = sid * NC + lax.axis_index("c")
    gsem = (g0, g1, g2)
    ssem = (s0, s1, s2)

    @pl.when(sid == 0)
    def _stage_table():
        pltpu.sync_copy(t_hbm, t_sh)

    base_w = wid * PER_W
    pltpu.sync_copy(ea_hbm.at[pl.ds(base_w, PER_W)], codes)
    pltpu.sync_copy(ea_hbm.at[pl.ds(N_E + base_w, PER_W)], a1v)
    pltpu.sync_copy(ea_hbm.at[pl.ds(2 * N_E + base_w, PER_W)], a2v)

    def code_body(i, carry):
        sl = pl.ds(pl.multiple_of(i * 16, 16), 16)
        codes[sl] = codes[sl] * (NV1 * NV2) + a1v[sl] * NV2 + a2v[sl]
        return carry

    lax.fori_loop(0, PER_W // 16, code_body, 0)

    plsc.subcore_barrier()

    def fire_gathers(g, b):
        off = 0
        for sz in GRPS:
            pltpu.async_copy(
                t_sh.at[codes.at[pl.ds(g * CHUNK + off, sz)]],
                rows.at[b, pl.ds(off, sz)], gsem[b])
            off += sz

    def drain_gathers(b):
        pltpu.make_async_copy(out_hbm.at[pl.ds(0, CHUNK)], rows.at[b],
                              gsem[b]).wait()

    def fire_store(g, b):
        pltpu.async_copy(rows.at[b],
                         out_hbm.at[pl.ds(base_w + g * CHUNK, CHUNK)],
                         ssem[b])

    def drain_store(b):
        pltpu.make_async_copy(rows.at[b], out_hbm.at[pl.ds(0, CHUNK)],
                              ssem[b]).wait()

    def step(g, k, drain_prev, prep):
        drain_gathers(k)
        fire_store(g, k)
        if prep:
            if drain_prev:
                drain_store((k + 2) % 3)
            fire_gathers(g + 2, (k + 2) % 3)

    fire_gathers(0, 0)
    fire_gathers(1, 1)
    step(0, 0, False, True)
    step(1, 1, True, True)
    step(2, 2, True, True)

    def triple_body(p, carry):
        g = 3 * p
        step(g, 0, True, True)
        step(g + 1, 1, True, True)
        step(g + 2, 2, True, True)
        return carry

    lax.fori_loop(1, NCHUNK // 3 - 1, triple_body, 0)

    step(45, 0, True, True)
    step(46, 1, True, True)
    step(47, 2, True, True)
    step(48, 0, True, False)
    step(49, 1, False, False)
    drain_store(2)
    drain_store(0)
    drain_store(1)


def kernel(edge_attr, W0, W1, W2):
    t = _build_table(W0, W1, W2)
    ea_t = edge_attr.astype(jnp.int32).T.reshape(3 * N_E)
    return _gather_kernel(ea_t, t)

# --- scband reference (transcript-rebuilt; emitter-appended) ---
"""Pipeline reference for scband-edge-encoder-74234214744356 (READ-ONLY COPY).

The authoritative reference and input builder live on the scoring server;
editing this copy changes nothing except your own understanding.
"""

import jax, jax.numpy as jnp
import numpy as np

EMB_DIM = 128
FEATURE_DIMS = [5, 6, 2]
N_EDGES = 320000

def _xavier_uniform(key, shape):
    fan_in, fan_out = shape[0], shape[1]
    a = float(np.sqrt(6.0 / (fan_in + fan_out)))
    return jax.random.uniform(key, shape, dtype=jnp.float32, minval=-a, maxval=a)

def setup_inputs(seed: int = 0) -> dict:
    key = jax.random.key(seed)
    k_idx, k0, k1, k2 = jax.random.split(key, 4)
    edge_attr = jax.random.randint(k_idx, (N_EDGES, 3), 0, 2, dtype=jnp.int64) if jax.config.jax_enable_x64 else jax.random.randint(k_idx, (N_EDGES, 3), 0, 2, dtype=jnp.int32)
    W0 = _xavier_uniform(k0, (FEATURE_DIMS[0], EMB_DIM))
    W1 = _xavier_uniform(k1, (FEATURE_DIMS[1], EMB_DIM))
    W2 = _xavier_uniform(k2, (FEATURE_DIMS[2], EMB_DIM))
    return {"edge_attr": edge_attr, "W0": W0, "W1": W1, "W2": W2}

def reference(edge_attr, W0, W1, W2):
    tables = [W0, W1, W2]
    L = len(tables)
    bond_embedding = jnp.zeros((edge_attr.shape[0], EMB_DIM), dtype=jnp.float32)
    for i in range(edge_attr.shape[1]):
        if i > L:
            t = tables[(i - 1) % (L - 1) + 1]
        else:
            t = tables[i]
        bond_embedding = bond_embedding + jnp.take(t, edge_attr[:, i], axis=0)
    return bond_embedding

if __name__ == "__main__":
    import jax
    _d = setup_inputs()
    print(jax.jit(kernel)(*tuple(_d.values())))

</pallas_src>

<mosaic_0001>
#map = affine_map<(d0, d1) -> (0)>
#map1 = affine_map<(d0, d1) -> (0, 0)>
module attributes {stable_mosaic.version = 14 : i64} {
  func.func @_gather_kernel(%arg0: i32, %arg1: i32, %arg2: memref<960000xi32, #tpu.memory_space<hbm>>, %arg3: memref<60x128xf32, #tpu.memory_space<hbm>>, %arg4: memref<320000x128xf32, #tpu.memory_space<hbm>>, %arg5: memref<60x128xf32, #tpu.memory_space<vmem_shared>>, %arg6: memref<10000xi32, #tpu.memory_space<vmem>>, %arg7: memref<10000xi32, #tpu.memory_space<vmem>>, %arg8: memref<10000xi32, #tpu.memory_space<vmem>>, %arg9: memref<3x200x128xf32, #tpu.memory_space<vmem>>, %arg10: memref<!tpu.dma_semaphore, #tpu.memory_space<semaphore_mem>>, %arg11: memref<!tpu.dma_semaphore, #tpu.memory_space<semaphore_mem>>, %arg12: memref<!tpu.dma_semaphore, #tpu.memory_space<semaphore_mem>>, %arg13: memref<!tpu.dma_semaphore, #tpu.memory_space<semaphore_mem>>, %arg14: memref<!tpu.dma_semaphore, #tpu.memory_space<semaphore_mem>>, %arg15: memref<!tpu.dma_semaphore, #tpu.memory_space<semaphore_mem>>) attributes {dimension_semantics = [#tpu.dimension_semantics<core_parallel>, #tpu.dimension_semantics<subcore_parallel>], iteration_bounds = array<i64: 2, 16>, scalar_prefetch = 0 : i64, scratch_operands = 11 : i64, tpu.core_type = #tpu.core_type<sc_vector_subcore>, window_params = [{transform_indices = #map}, {transform_indices = #map1}, {transform_indices = #map1}]} {
    %mul3A = arith.constant 2 : i32
    %mul3A_0 = arith.muli %arg1, %mul3A : i32
    %add3A = arith.addi %mul3A_0, %arg0 : i32
    %eq3A = arith.constant 0 : i32
    %eq3A_1 = arith.cmpi eq, %arg1, %eq3A : i32
    %convert_element_type3A = arith.extui %eq3A_1 : i1 to i32
    %cond3A = arith.constant 0 : i32
    %cond3A_2 = arith.cmpi ne, %convert_element_type3A, %cond3A : i32
    scf.if %cond3A_2 {
      "tpu.region"() ({
        %run_scoped3A = tpu.sem_alloc : memref<!tpu.dma_semaphore, #tpu.memory_space<semaphore_mem>>
        tpu.enqueue_dma source(%arg3 : memref<60x128xf32, #tpu.memory_space<hbm>>) target(%arg5 : memref<60x128xf32, #tpu.memory_space<vmem_shared>>) target_semaphore(%run_scoped3A : memref<!tpu.dma_semaphore, #tpu.memory_space<semaphore_mem>>)
        tpu.wait_dma2 semaphore(%run_scoped3A : memref<!tpu.dma_semaphore, #tpu.memory_space<semaphore_mem>>) src(%arg3 : memref<60x128xf32, #tpu.memory_space<hbm>>) dst(%arg5 : memref<60x128xf32, #tpu.memory_space<vmem_shared>>)
        tpu.yield
      }) : () -> ()
    } else {
    }
    %mul3A_3 = arith.constant 10000 : i32
    %mul3A_4 = arith.muli %add3A, %mul3A_3 : i32
    "tpu.region"() ({
      %run_scoped3A = tpu.sem_alloc : memref<!tpu.dma_semaphore, #tpu.memory_space<semaphore_mem>>
      %dma_start3A_538 = tpu.memref_slice %arg2[%mul3A_4] : memref<960000xi32, #tpu.memory_space<hbm>> -> memref<10000xi32, #tpu.memory_space<hbm>>
      %dma_start3A_539 = tpu.memref_slice %arg2[%mul3A_4] : memref<960000xi32, #tpu.memory_space<hbm>> -> memref<10000xi32, #tpu.memory_space<hbm>>
      tpu.enqueue_dma source(%dma_start3A_539 : memref<10000xi32, #tpu.memory_space<hbm>>) target(%arg6 : memref<10000xi32, #tpu.memory_space<vmem>>) target_semaphore(%run_scoped3A : memref<!tpu.dma_semaphore, #tpu.memory_space<semaphore_mem>>)
      %dma_wait3A_540 = tpu.memref_slice %arg2[%mul3A_4] : memref<960000xi32, #tpu.memory_space<hbm>> -> memref<10000xi32, #tpu.memory_space<hbm>>
      %dma_wait3A_541 = tpu.memref_slice %arg2[%mul3A_4] : memref<960000xi32, #tpu.memory_space<hbm>> -> memref<10000xi32, #tpu.memory_space<hbm>>
      tpu.wait_dma2 semaphore(%run_scoped3A : memref<!tpu.dma_semaphore, #tpu.memory_space<semaphore_mem>>) src(%dma_wait3A_541 : memref<10000xi32, #tpu.memory_space<hbm>>) dst(%arg6 : memref<10000xi32, #tpu.memory_space<vmem>>)
      tpu.yield
    }) : () -> ()
    %add3A_5 = arith.constant 320000 : i32
    %add3A_6 = arith.addi %add3A_5, %mul3A_4 : i32
    "tpu.region"() ({
      %run_scoped3A = tpu.sem_alloc : memref<!tpu.dma_semaphore, #tpu.memory_space<semaphore_mem>>
      %dma_start3A_538 = tpu.memref_slice %arg2[%add3A_6] : memref<960000xi32, #tpu.memory_space<hbm>> -> memref<10000xi32, #tpu.memory_space<hbm>>
      %dma_start3A_539 = tpu.memref_slice %arg2[%add3A_6] : memref<960000xi32, #tpu.memory_space<hbm>> -> memref<10000xi32, #tpu.memory_space<hbm>>
      tpu.enqueue_dma source(%dma_start3A_539 : memref<10000xi32, #tpu.memory_space<hbm>>) target(%arg7 : memref<10000xi32, #tpu.memory_space<vmem>>) target_semaphore(%run_scoped3A : memref<!tpu.dma_semaphore, #tpu.memory_space<semaphore_mem>>)
      %dma_wait3A_540 = tpu.memref_slice %arg2[%add3A_6] : memref<960000xi32, #tpu.memory_space<hbm>> -> memref<10000xi32, #tpu.memory_space<hbm>>
      %dma_wait3A_541 = tpu.memref_slice %arg2[%add3A_6] : memref<960000xi32, #tpu.memory_space<hbm>> -> memref<10000xi32, #tpu.memory_space<hbm>>
      tpu.wait_dma2 semaphore(%run_scoped3A : memref<!tpu.dma_semaphore, #tpu.memory_space<semaphore_mem>>) src(%dma_wait3A_541 : memref<10000xi32, #tpu.memory_space<hbm>>) dst(%arg7 : memref<10000xi32, #tpu.memory_space<vmem>>)
      tpu.yield
    }) : () -> ()
    %add3A_7 = arith.constant 640000 : i32
    %add3A_8 = arith.addi %add3A_7, %mul3A_4 : i32
    "tpu.region"() ({
      %run_scoped3A = tpu.sem_alloc : memref<!tpu.dma_semaphore, #tpu.memory_space<semaphore_mem>>
      %dma_start3A_538 = tpu.memref_slice %arg2[%add3A_8] : memref<960000xi32, #tpu.memory_space<hbm>> -> memref<10000xi32, #tpu.memory_space<hbm>>
      %dma_start3A_539 = tpu.memref_slice %arg2[%add3A_8] : memref<960000xi32, #tpu.memory_space<hbm>> -> memref<10000xi32, #tpu.memory_space<hbm>>
      tpu.enqueue_dma source(%dma_start3A_539 : memref<10000xi32, #tpu.memory_space<hbm>>) target(%arg8 : memref<10000xi32, #tpu.memory_space<vmem>>) target_semaphore(%run_scoped3A : memref<!tpu.dma_semaphore, #tpu.memory_space<semaphore_mem>>)
      %dma_wait3A_540 = tpu.memref_slice %arg2[%add3A_8] : memref<960000xi32, #tpu.memory_space<hbm>> -> memref<10000xi32, #tpu.memory_space<hbm>>
      %dma_wait3A_541 = tpu.memref_slice %arg2[%add3A_8] : memref<960000xi32, #tpu.memory_space<hbm>> -> memref<10000xi32, #tpu.memory_space<hbm>>
      tpu.wait_dma2 semaphore(%run_scoped3A : memref<!tpu.dma_semaphore, #tpu.memory_space<semaphore_mem>>) src(%dma_wait3A_541 : memref<10000xi32, #tpu.memory_space<hbm>>) dst(%arg8 : memref<10000xi32, #tpu.memory_space<vmem>>)
      tpu.yield
    }) : () -> ()
    %scan3A = arith.constant 0 : i32
    %scan3A_9 = arith.constant 0 : i32
    %scan3A_10 = arith.constant 625 : i32
    %scan3A_11 = arith.addi %scan3A_9, %scan3A_10 : i32
    %scan3A_12 = arith.constant 1 : i32
    scf.for %scan3A_538 = %scan3A_9 to %scan3A_11 step %scan3A_12  : i32 {
      %mul3A_539 = arith.constant 16 : i32
      %mul3A_540 = arith.muli %scan3A_538, %mul3A_539 : i32
      %multiple_of3A = tpu.assume_multiple %mul3A_540, 16 : i32
      %get3A = arith.index_cast %multiple_of3A : i32 to index
      %get3A_541 = tpu.vector_load %arg6[%get3A] {strides = array<i32>} : memref<10000xi32, #tpu.memory_space<vmem>>, vector<16xi32>,
      %get3A_542 = vector.shape_cast %get3A_541 : vector<16xi32> to vector<16xi32>
      %mul3A_543 = arith.constant 12 : i32
      %mul3A_544 = vector.broadcast %mul3A_543 : i32 to vector<16xi32>
      %mul3A_545 = arith.muli %get3A_542, %mul3A_544 : vector<16xi32>
      %get3A_546 = arith.index_cast %multiple_of3A : i32 to index
      %get3A_547 = tpu.vector_load %arg7[%get3A_546] {strides = array<i32>} : memref<10000xi32, #tpu.memory_space<vmem>>, vector<16xi32>,
      %get3A_548 = vector.shape_cast %get3A_547 : vector<16xi32> to vector<16xi32>
      %mul3A_549 = arith.constant 2 : i32
      %mul3A_550 = vector.broadcast %mul3A_549 : i32 to vector<16xi32>
      %mul3A_551 = arith.muli %get3A_548, %mul3A_550 : vector<16xi32>
      %add3A_552 = arith.addi %mul3A_545, %mul3A_551 : vector<16xi32>
      %get3A_553 = arith.index_cast %multiple_of3A : i32 to index
      %get3A_554 = tpu.vector_load %arg8[%get3A_553] {strides = array<i32>} : memref<10000xi32, #tpu.memory_space<vmem>>, vector<16xi32>,
      %get3A_555 = vector.shape_cast %get3A_554 : vector<16xi32> to vector<16xi32>
      %add3A_556 = arith.addi %add3A_552, %get3A_555 : vector<16xi32>
      %swap3A = arith.index_cast %multiple_of3A : i32 to index
      %swap3A_557 = tpu.vector_load %arg6[%swap3A] {strides = array<i32>} : memref<10000xi32, #tpu.memory_space<vmem>>, vector<16xi32>,
      %swap3A_558 = vector.shape_cast %swap3A_557 : vector<16xi32> to vector<16xi32>
      %swap3A_559 = vector.shape_cast %add3A_556 : vector<16xi32> to vector<16xi32>
      tpu.vector_store %arg6[%swap3A], %swap3A_559 {strides = array<i32>} : memref<10000xi32, #tpu.memory_space<vmem>>, vector<16xi32>,
    }
    %scan3A_13 = arith.constant 625 : i32
    %barrier3A = arith.constant 0 : index
    tpu.barrier barrier_id(%barrier3A)
    %dma_start3A = arith.constant 0 : i32
    %dma_start3A_14 = arith.constant 0 : i32
    %dma_start3A_15 = arith.constant 0 : i32
    %dma_start3A_16 = tpu.memref_slice %arg9[%dma_start3A, %dma_start3A_14, %dma_start3A_15] : memref<3x200x128xf32, #tpu.memory_space<vmem>> -> memref<1x128x128xf32, #tpu.memory_space<vmem>>
    %dma_start3A_17 = tpu.memref_squeeze %dma_start3A_16 : memref<1x128x128xf32, #tpu.memory_space<vmem>> -> memref<128x128xf32, #tpu.memory_space<vmem>>
    %dma_start3A_18 = arith.constant 0 : i32
    %dma_start3A_19 = tpu.memref_slice %arg6[%dma_start3A_18] : memref<10000xi32, #tpu.memory_space<vmem>> -> memref<128xi32, #tpu.memory_space<vmem>>
    %dma_start3A_20 = arith.constant 0 : i32
    %dma_start3A_21 = arith.constant 0 : i32
    %dma_start3A_22 = tpu.memref_slice %arg5[%dma_start3A_20, %dma_start3A_21] : memref<60x128xf32, #tpu.memory_space<vmem_shared>> -> memref<60x128xf32, #tpu.memory_space<vmem_shared>>
    tpu.enqueue_indirect_dma source(%dma_start3A_22 : memref<60x128xf32, #tpu.memory_space<vmem_shared>>) target(%dma_start3A_17 : memref<128x128xf32, #tpu.memory_space<vmem>>) offsets(%dma_start3A_19 : memref<128xi32, #tpu.memory_space<vmem>>) semaphore(%arg10 : memref<!tpu.dma_semaphore, #tpu.memory_space<semaphore_mem>>)
    %dma_start3A_23 = arith.constant 0 : i32
    %dma_start3A_24 = arith.constant 128 : i32
    %dma_start3A_25 = arith.constant 0 : i32
    %dma_start3A_26 = tpu.memref_slice %arg9[%dma_start3A_23, %dma_start3A_24, %dma_start3A_25] : memref<3x200x128xf32, #tpu.memory_space<vmem>> -> memref<1x72x128xf32, #tpu.memory_space<vmem>>
    %dma_start3A_27 = tpu.memref_squeeze %dma_start3A_26 : memref<1x72x128xf32, #tpu.memory_space<vmem>> -> memref<72x128xf32, #tpu.memory_space<vmem>>
    %dma_start3A_28 = arith.constant 128 : i32
    %dma_start3A_29 = tpu.memref_slice %arg6[%dma_start3A_28] : memref<10000xi32, #tpu.memory_space<vmem>> -> memref<72xi32, #tpu.memory_space<vmem>>
    %dma_start3A_30 = arith.constant 0 : i32
    %dma_start3A_31 = arith.constant 0 : i32
    %dma_start3A_32 = tpu.memref_slice %arg5[%dma_start3A_30, %dma_start3A_31] : memref<60x128xf32, #tpu.memory_space<vmem_shared>> -> memref<60x128xf32, #tpu.memory_space<vmem_shared>>
    tpu.enqueue_indirect_dma source(%dma_start3A_32 : memref<60x128xf32, #tpu.memory_space<vmem_shared>>) target(%dma_start3A_27 : memref<72x128xf32, #tpu.memory_space<vmem>>) offsets(%dma_start3A_29 : memref<72xi32, #tpu.memory_space<vmem>>) semaphore(%arg10 : memref<!tpu.dma_semaphore, #tpu.memory_space<semaphore_mem>>)
    %dma_start3A_33 = arith.constant 1 : i32
    %dma_start3A_34 = arith.constant 0 : i32
    %dma_start3A_35 = arith.constant 0 : i32
    %dma_start3A_36 = tpu.memref_slice %arg9[%dma_start3A_33, %dma_start3A_34, %dma_start3A_35] : memref<3x200x128xf32, #tpu.memory_space<vmem>> -> memref<1x128x128xf32, #tpu.memory_space<vmem>>
    %dma_start3A_37 = tpu.memref_squeeze %dma_start3A_36 : memref<1x128x128xf32, #tpu.memory_space<vmem>> -> memref<128x128xf32, #tpu.memory_space<vmem>>
    %dma_start3A_38 = arith.constant 200 : i32
    %dma_start3A_39 = tpu.memref_slice %arg6[%dma_start3A_38] : memref<10000xi32, #tpu.memory_space<vmem>> -> memref<128xi32, #tpu.memory_space<vmem>>
    %dma_start3A_40 = arith.constant 0 : i32
    %dma_start3A_41 = arith.constant 0 : i32
    %dma_start3A_42 = tpu.memref_slice %arg5[%dma_start3A_40, %dma_start3A_41] : memref<60x128xf32, #tpu.memory_space<vmem_shared>> -> memref<60x128xf32, #tpu.memory_space<vmem_shared>>
    tpu.enqueue_indirect_dma source(%dma_start3A_42 : memref<60x128xf32, #tpu.memory_space<vmem_shared>>) target(%dma_start3A_37 : memref<128x128xf32, #tpu.memory_space<vmem>>) offsets(%dma_start3A_39 : memref<128xi32, #tpu.memory_space<vmem>>) semaphore(%arg11 : memref<!tpu.dma_semaphore, #tpu.memory_space<semaphore_mem>>)
    %dma_start3A_43 = arith.constant 1 : i32
    %dma_start3A_44 = arith.constant 128 : i32
    %dma_start3A_45 = arith.constant 0 : i32
    %dma_start3A_46 = tpu.memref_slice %arg9[%dma_start3A_43, %dma_start3A_44, %dma_start3A_45] : memref<3x200x128xf32, #tpu.memory_space<vmem>> -> memref<1x72x128xf32, #tpu.memory_space<vmem>>
    %dma_start3A_47 = tpu.memref_squeeze %dma_start3A_46 : memref<1x72x128xf32, #tpu.memory_space<vmem>> -> memref<72x128xf32, #tpu.memory_space<vmem>>
    %dma_start3A_48 = arith.constant 328 : i32
    %dma_start3A_49 = tpu.memref_slice %arg6[%dma_start3A_48] : memref<10000xi32, #tpu.memory_space<vmem>> -> memref<72xi32, #tpu.memory_space<vmem>>
    %dma_start3A_50 = arith.constant 0 : i32
    %dma_start3A_51 = arith.constant 0 : i32
    %dma_start3A_52 = tpu.memref_slice %arg5[%dma_start3A_50, %dma_start3A_51] : memref<60x128xf32, #tpu.memory_space<vmem_shared>> -> memref<60x128xf32, #tpu.memory_space<vmem_shared>>
    tpu.enqueue_indirect_dma source(%dma_start3A_52 : memref<60x128xf32, #tpu.memory_space<vmem_shared>>) target(%dma_start3A_47 : memref<72x128xf32, #tpu.memory_space<vmem>>) offsets(%dma_start3A_49 : memref<72xi32, #tpu.memory_space<vmem>>) semaphore(%arg11 : memref<!tpu.dma_semaphore, #tpu.memory_space<semaphore_mem>>)
    %dma_wait3A = arith.constant 0 : i32
    %dma_wait3A_53 = arith.constant 0 : i32
    %dma_wait3A_54 = arith.constant 0 : i32
    %dma_wait3A_55 = tpu.memref_slice %arg9[%dma_wait3A, %dma_wait3A_53, %dma_wait3A_54] : memref<3x200x128xf32, #tpu.memory_space<vmem>> -> memref<1x200x128xf32, #tpu.memory_space<vmem>>
    %dma_wait3A_56 = tpu.memref_squeeze %dma_wait3A_55 : memref<1x200x128xf32, #tpu.memory_space<vmem>> -> memref<200x128xf32, #tpu.memory_space<vmem>>
    %dma_wait3A_57 = arith.constant 0 : i32
    %dma_wait3A_58 = arith.constant 0 : i32
    %dma_wait3A_59 = tpu.memref_slice %arg4[%dma_wait3A_57, %dma_wait3A_58] : memref<320000x128xf32, #tpu.memory_space<hbm>> -> memref<200x128xf32, #tpu.memory_space<hbm>>
    %dma_wait3A_60 = arith.constant 0 : i32
    %dma_wait3A_61 = arith.constant 0 : i32
    %dma_wait3A_62 = tpu.memref_slice %arg9[%dma_wait3A, %dma_wait3A_60, %dma_wait3A_61] : memref<3x200x128xf32, #tpu.memory_space<vmem>> -> memref<1x200x128xf32, #tpu.memory_space<vmem>>
    %dma_wait3A_63 = tpu.memref_squeeze %dma_wait3A_62 : memref<1x200x128xf32, #tpu.memory_space<vmem>> -> memref<200x128xf32, #tpu.memory_space<vmem>>
    %dma_wait3A_64 = arith.constant 0 : i32
    %dma_wait3A_65 = arith.constant 0 : i32
    %dma_wait3A_66 = tpu.memref_slice %arg4[%dma_wait3A_64, %dma_wait3A_65] : memref<320000x128xf32, #tpu.memory_space<hbm>> -> memref<200x128xf32, #tpu.memory_space<hbm>>
    tpu.wait_dma2 semaphore(%arg10 : memref<!tpu.dma_semaphore, #tpu.memory_space<semaphore_mem>>) src(%dma_wait3A_66 : memref<200x128xf32, #tpu.memory_space<hbm>>) dst(%dma_wait3A_63 : memref<200x128xf32, #tpu.memory_space<vmem>>)
    %add3A_67 = arith.constant 0 : i32
    %add3A_68 = arith.addi %mul3A_4, %add3A_67 : i32
    %dma_start3A_69 = arith.constant 0 : i32
    %dma_start3A_70 = arith.constant 0 : i32
    %dma_start3A_71 = arith.constant 0 : i32
    %dma_start3A_72 = tpu.memref_slice %arg9[%dma_start3A_69, %dma_start3A_70, %dma_start3A_71] : memref<3x200x128xf32, #tpu.memory_space<vmem>> -> memref<1x200x128xf32, #tpu.memory_space<vmem>>
    %dma_start3A_73 = tpu.memref_squeeze %dma_start3A_72 : memref<1x200x128xf32, #tpu.memory_space<vmem>> -> memref<200x128xf32, #tpu.memory_space<vmem>>
    %dma_start3A_74 = arith.constant 0 : i32
    %dma_start3A_75 = tpu.memref_slice %arg4[%add3A_68, %dma_start3A_74] : memref<320000x128xf32, #tpu.memory_space<hbm>> -> memref<200x128xf32, #tpu.memory_space<hbm>>
    %dma_start3A_76 = arith.constant 0 : i32
    %dma_start3A_77 = tpu.memref_slice %arg4[%add3A_68, %dma_start3A_76] : memref<320000x128xf32, #tpu.memory_space<hbm>> -> memref<200x128xf32, #tpu.memory_space<hbm>>
    %dma_start3A_78 = arith.constant 0 : i32
    %dma_start3A_79 = arith.constant 0 : i32
    %dma_start3A_80 = tpu.memref_slice %arg9[%dma_start3A_69, %dma_start3A_78, %dma_start3A_79] : memref<3x200x128xf32, #tpu.memory_space<vmem>> -> memref<1x200x128xf32, #tpu.memory_space<vmem>>
    %dma_start3A_81 = tpu.memref_squeeze %dma_start3A_80 : memref<1x200x128xf32, #tpu.memory_space<vmem>> -> memref<200x128xf32, #tpu.memory_space<vmem>>
    tpu.enqueue_dma source(%dma_start3A_81 : memref<200x128xf32, #tpu.memory_space<vmem>>) target(%dma_start3A_77 : memref<200x128xf32, #tpu.memory_space<hbm>>) target_semaphore(%arg13 : memref<!tpu.dma_semaphore, #tpu.memory_space<semaphore_mem>>)
    %dma_start3A_82 = arith.constant 2 : i32
    %dma_start3A_83 = arith.constant 0 : i32
    %dma_start3A_84 = arith.constant 0 : i32
    %dma_start3A_85 = tpu.memref_slice %arg9[%dma_start3A_82, %dma_start3A_83, %dma_start3A_84] : memref<3x200x128xf32, #tpu.memory_space<vmem>> -> memref<1x128x128xf32, #tpu.memory_space<vmem>>
    %dma_start3A_86 = tpu.memref_squeeze %dma_start3A_85 : memref<1x128x128xf32, #tpu.memory_space<vmem>> -> memref<128x128xf32, #tpu.memory_space<vmem>>
    %dma_start3A_87 = arith.constant 400 : i32
    %dma_start3A_88 = tpu.memref_slice %arg6[%dma_start3A_87] : memref<10000xi32, #tpu.memory_space<vmem>> -> memref<128xi32, #tpu.memory_space<vmem>>
    %dma_start3A_89 = arith.constant 0 : i32
    %dma_start3A_90 = arith.constant 0 : i32
    %dma_start3A_91 = tpu.memref_slice %arg5[%dma_start3A_89, %dma_start3A_90] : memref<60x128xf32, #tpu.memory_space<vmem_shared>> -> memref<60x128xf32, #tpu.memory_space<vmem_shared>>
    tpu.enqueue_indirect_dma source(%dma_start3A_91 : memref<60x128xf32, #tpu.memory_space<vmem_shared>>) target(%dma_start3A_86 : memref<128x128xf32, #tpu.memory_space<vmem>>) offsets(%dma_start3A_88 : memref<128xi32, #tpu.memory_space<vmem>>) semaphore(%arg12 : memref<!tpu.dma_semaphore, #tpu.memory_space<semaphore_mem>>)
    %dma_start3A_92 = arith.constant 2 : i32
    %dma_start3A_93 = arith.constant 128 : i32
    %dma_start3A_94 = arith.constant 0 : i32
    %dma_start3A_95 = tpu.memref_slice %arg9[%dma_start3A_92, %dma_start3A_93, %dma_start3A_94] : memref<3x200x128xf32, #tpu.memory_space<vmem>> -> memref<1x72x128xf32, #tpu.memory_space<vmem>>
    %dma_start3A_96 = tpu.memref_squeeze %dma_start3A_95 : memref<1x72x128xf32, #tpu.memory_space<vmem>> -> memref<72x128xf32, #tpu.memory_space<vmem>>
    %dma_start3A_97 = arith.constant 528 : i32
    %dma_start3A_98 = tpu.memref_slice %arg6[%dma_start3A_97] : memref<10000xi32, #tpu.memory_space<vmem>> -> memref<72xi32, #tpu.memory_space<vmem>>
    %dma_start3A_99 = arith.constant 0 : i32
    %dma_start3A_100 = arith.constant 0 : i32
    %dma_start3A_101 = tpu.memref_slice %arg5[%dma_start3A_99, %dma_start3A_100] : memref<60x128xf32, #tpu.memory_space<vmem_shared>> -> memref<60x128xf32, #tpu.memory_space<vmem_shared>>
    tpu.enqueue_indirect_dma source(%dma_start3A_101 : memref<60x128xf32, #tpu.memory_space<vmem_shared>>) target(%dma_start3A_96 : memref<72x128xf32, #tpu.memory_space<vmem>>) offsets(%dma_start3A_98 : memref<72xi32, #tpu.memory_space<vmem>>) semaphore(%arg12 : memref<!tpu.dma_semaphore, #tpu.memory_space<semaphore_mem>>)
    %dma_wait3A_102 = arith.constant 1 : i32
    %dma_wait3A_103 = arith.constant 0 : i32
    %dma_wait3A_104 = arith.constant 0 : i32
    %dma_wait3A_105 = tpu.memref_slice %arg9[%dma_wait3A_102, %dma_wait3A_103, %dma_wait3A_104] : memref<3x200x128xf32, #tpu.memory_space<vmem>> -> memref<1x200x128xf32, #tpu.memory_space<vmem>>
    %dma_wait3A_106 = tpu.memref_squeeze %dma_wait3A_105 : memref<1x200x128xf32, #tpu.memory_space<vmem>> -> memref<200x128xf32, #tpu.memory_space<vmem>>
    %dma_wait3A_107 = arith.constant 0 : i32
    %dma_wait3A_108 = arith.constant 0 : i32
    %dma_wait3A_109 = tpu.memref_slice %arg4[%dma_wait3A_107, %dma_wait3A_108] : memref<320000x128xf32, #tpu.memory_space<hbm>> -> memref<200x128xf32, #tpu.memory_space<hbm>>
    %dma_wait3A_110 = arith.constant 0 : i32
    %dma_wait3A_111 = arith.constant 0 : i32
    %dma_wait3A_112 = tpu.memref_slice %arg9[%dma_wait3A_102, %dma_wait3A_110, %dma_wait3A_111] : memref<3x200x128xf32, #tpu.memory_space<vmem>> -> memref<1x200x128xf32, #tpu.memory_space<vmem>>
    %dma_wait3A_113 = tpu.memref_squeeze %dma_wait3A_112 : memref<1x200x128xf32, #tpu.memory_space<vmem>> -> memref<200x128xf32, #tpu.memory_space<vmem>>
    %dma_wait3A_114 = arith.constant 0 : i32
    %dma_wait3A_115 = arith.constant 0 : i32
    %dma_wait3A_116 = tpu.memref_slice %arg4[%dma_wait3A_114, %dma_wait3A_115] : memref<320000x128xf32, #tpu.memory_space<hbm>> -> memref<200x128xf32, #tpu.memory_space<hbm>>
    tpu.wait_dma2 semaphore(%arg11 : memref<!tpu.dma_semaphore, #tpu.memory_space<semaphore_mem>>) src(%dma_wait3A_116 : memref<200x128xf32, #tpu.memory_space<hbm>>) dst(%dma_wait3A_113 : memref<200x128xf32, #tpu.memory_space<vmem>>)
    %add3A_117 = arith.constant 200 : i32
    %add3A_118 = arith.addi %mul3A_4, %add3A_117 : i32
    %dma_start3A_119 = arith.constant 1 : i32
    %dma_start3A_120 = arith.constant 0 : i32
    %dma_start3A_121 = arith.constant 0 : i32
    %dma_start3A_122 = tpu.memref_slice %arg9[%dma_start3A_119, %dma_start3A_120, %dma_start3A_121] : memref<3x200x128xf32, #tpu.memory_space<vmem>> -> memref<1x200x128xf32, #tpu.memory_space<vmem>>
    %dma_start3A_123 = tpu.memref_squeeze %dma_start3A_122 : memref<1x200x128xf32, #tpu.memory_space<vmem>> -> memref<200x128xf32, #tpu.memory_space<vmem>>
    %dma_start3A_124 = arith.constant 0 : i32
    %dma_start3A_125 = tpu.memref_slice %arg4[%add3A_118, %dma_start3A_124] : memref<320000x128xf32, #tpu.memory_space<hbm>> -> memref<200x128xf32, #tpu.memory_space<hbm>>
    %dma_start3A_126 = arith.constant 0 : i32
    %dma_start3A_127 = tpu.memref_slice %arg4[%add3A_118, %dma_start3A_126] : memref<320000x128xf32, #tpu.memory_space<hbm>> -> memref<200x128xf32, #tpu.memory_space<hbm>>
    %dma_start3A_128 = arith.constant 0 : i32
    %dma_start3A_129 = arith.constant 0 : i32
    %dma_start3A_130 = tpu.memref_slice %arg9[%dma_start3A_119, %dma_start3A_128, %dma_start3A_129] : memref<3x200x128xf32, #tpu.memory_space<vmem>> -> memref<1x200x128xf32, #tpu.memory_space<vmem>>
    %dma_start3A_131 = tpu.memref_squeeze %dma_start3A_130 : memref<1x200x128xf32, #tpu.memory_space<vmem>> -> memref<200x128xf32, #tpu.memory_space<vmem>>
    tpu.enqueue_dma source(%dma_start3A_131 : memref<200x128xf32, #tpu.memory_space<vmem>>) target(%dma_start3A_127 : memref<200x128xf32, #tpu.memory_space<hbm>>) target_semaphore(%arg14 : memref<!tpu.dma_semaphore, #tpu.memory_space<semaphore_mem>>)
    %dma_wait3A_132 = arith.constant 0 : i32
    %dma_wait3A_133 = arith.constant 0 : i32
    %dma_wait3A_134 = arith.constant 0 : i32
    %dma_wait3A_135 = tpu.memref_slice %arg9[%dma_wait3A_132, %dma_wait3A_133, %dma_wait3A_134] : memref<3x200x128xf32, #tpu.memory_space<vmem>> -> memref<1x200x128xf32, #tpu.memory_space<vmem>>
    %dma_wait3A_136 = tpu.memref_squeeze %dma_wait3A_135 : memref<1x200x128xf32, #tpu.memory_space<vmem>> -> memref<200x128xf32, #tpu.memory_space<vmem>>
    %dma_wait3A_137 = arith.constant 0 : i32
    %dma_wait3A_138 = arith.constant 0 : i32
    %dma_wait3A_139 = tpu.memref_slice %arg4[%dma_wait3A_137, %dma_wait3A_138] : memref<320000x128xf32, #tpu.memory_space<hbm>> -> memref<200x128xf32, #tpu.memory_space<hbm>>
    %dma_wait3A_140 = arith.constant 0 : i32
    %dma_wait3A_141 = arith.constant 0 : i32
    %dma_wait3A_142 = tpu.memref_slice %arg4[%dma_wait3A_140, %dma_wait3A_141] : memref<320000x128xf32, #tpu.memory_space<hbm>> -> memref<200x128xf32, #tpu.memory_space<hbm>>
    %dma_wait3A_143 = arith.constant 0 : i32
    %dma_wait3A_144 = arith.constant 0 : i32
    %dma_wait3A_145 = tpu.memref_slice %arg9[%dma_wait3A_132, %dma_wait3A_143, %dma_wait3A_144] : memref<3x200x128xf32, #tpu.memory_space<vmem>> -> memref<1x200x128xf32, #tpu.memory_space<vmem>>
    %dma_wait3A_146 = tpu.memref_squeeze %dma_wait3A_145 : memref<1x200x128xf32, #tpu.memory_space<vmem>> -> memref<200x128xf32, #tpu.memory_space<vmem>>
    tpu.wait_dma2 semaphore(%arg13 : memref<!tpu.dma_semaphore, #tpu.memory_space<semaphore_mem>>) src(%dma_wait3A_146 : memref<200x128xf32, #tpu.memory_space<vmem>>) dst(%dma_wait3A_142 : memref<200x128xf32, #tpu.memory_space<hbm>>)
    %dma_start3A_147 = arith.constant 0 : i32
    %dma_start3A_148 = arith.constant 0 : i32
    %dma_start3A_149 = arith.constant 0 : i32
    %dma_start3A_150 = tpu.memref_slice %arg9[%dma_start3A_147, %dma_start3A_148, %dma_start3A_149] : memref<3x200x128xf32, #tpu.memory_space<vmem>> -> memref<1x128x128xf32, #tpu.memory_space<vmem>>
    %dma_start3A_151 = tpu.memref_squeeze %dma_start3A_150 : memref<1x128x128xf32, #tpu.memory_space<vmem>> -> memref<128x128xf32, #tpu.memory_space<vmem>>
    %dma_start3A_152 = arith.constant 600 : i32
    %dma_start3A_153 = tpu.memref_slice %arg6[%dma_start3A_152] : memref<10000xi32, #tpu.memory_space<vmem>> -> memref<128xi32, #tpu.memory_space<vmem>>
    %dma_start3A_154 = arith.constant 0 : i32
    %dma_start3A_155 = arith.constant 0 : i32
    %dma_start3A_156 = tpu.memref_slice %arg5[%dma_start3A_154, %dma_start3A_155] : memref<60x128xf32, #tpu.memory_space<vmem_shared>> -> memref<60x128xf32, #tpu.memory_space<vmem_shared>>
    tpu.enqueue_indirect_dma source(%dma_start3A_156 : memref<60x128xf32, #tpu.memory_space<vmem_shared>>) target(%dma_start3A_151 : memref<128x128xf32, #tpu.memory_space<vmem>>) offsets(%dma_start3A_153 : memref<128xi32, #tpu.memory_space<vmem>>) semaphore(%arg10 : memref<!tpu.dma_semaphore, #tpu.memory_space<semaphore_mem>>)
    %dma_start3A_157 = arith.constant 0 : i32
    %dma_start3A_158 = arith.constant 128 : i32
    %dma_start3A_159 = arith.constant 0 : i32
    %dma_start3A_160 = tpu.memref_slice %arg9[%dma_start3A_157, %dma_start3A_158, %dma_start3A_159] : memref<3x200x128xf32, #tpu.memory_space<vmem>> -> memref<1x72x128xf32, #tpu.memory_space<vmem>>
    %dma_start3A_161 = tpu.memref_squeeze %dma_start3A_160 : memref<1x72x128xf32, #tpu.memory_space<vmem>> -> memref<72x128xf32, #tpu.memory_space<vmem>>
    %dma_start3A_162 = arith.constant 728 : i32
    %dma_start3A_163 = tpu.memref_slice %arg6[%dma_start3A_162] : memref<10000xi32, #tpu.memory_space<vmem>> -> memref<72xi32, #tpu.memory_space<vmem>>
    %dma_start3A_164 = arith.constant 0 : i32
    %dma_start3A_165 = arith.constant 0 : i32
    %dma_start3A_166 = tpu.memref_slice %arg5[%dma_start3A_164, %dma_start3A_165] : memref<60x128xf32, #tpu.memory_space<vmem_shared>> -> memref<60x128xf32, #tpu.memory_space<vmem_shared>>
    tpu.enqueue_indirect_dma source(%dma_start3A_166 : memref<60x128xf32, #tpu.memory_space<vmem_shared>>) target(%dma_start3A_161 : memref<72x128xf32, #tpu.memory_space<vmem>>) offsets(%dma_start3A_163 : memref<72xi32, #tpu.memory_space<vmem>>) semaphore(%arg10 : memref<!tpu.dma_semaphore, #tpu.memory_space<semaphore_mem>>)
    %dma_wait3A_167 = arith.constant 2 : i32
    %dma_wait3A_168 = arith.constant 0 : i32
    %dma_wait3A_169 = arith.constant 0 : i32
    %dma_wait3A_170 = tpu.memref_slice %arg9[%dma_wait3A_167, %dma_wait3A_168, %dma_wait3A_169] : memref<3x200x128xf32, #tpu.memory_space<vmem>> -> memref<1x200x128xf32, #tpu.memory_space<vmem>>
    %dma_wait3A_171 = tpu.memref_squeeze %dma_wait3A_170 : memref<1x200x128xf32, #tpu.memory_space<vmem>> -> memref<200x128xf32, #tpu.memory_space<vmem>>
    %dma_wait3A_172 = arith.constant 0 : i32
    %dma_wait3A_173 = arith.constant 0 : i32
    %dma_wait3A_174 = tpu.memref_slice %arg4[%dma_wait3A_172, %dma_wait3A_173] : memref<320000x128xf32, #tpu.memory_space<hbm>> -> memref<200x128xf32, #tpu.memory_space<hbm>>
    %dma_wait3A_175 = arith.constant 0 : i32
    %dma_wait3A_176 = arith.constant 0 : i32
    %dma_wait3A_177 = tpu.memref_slice %arg9[%dma_wait3A_167, %dma_wait3A_175, %dma_wait3A_176] : memref<3x200x128xf32, #tpu.memory_space<vmem>> -> memref<1x200x128xf32, #tpu.memory_space<vmem>>
    %dma_wait3A_178 = tpu.memref_squeeze %dma_wait3A_177 : memref<1x200x128xf32, #tpu.memory_space<vmem>> -> memref<200x128xf32, #tpu.memory_space<vmem>>
    %dma_wait3A_179 = arith.constant 0 : i32
    %dma_wait3A_180 = arith.constant 0 : i32
    %dma_wait3A_181 = tpu.memref_slice %arg4[%dma_wait3A_179, %dma_wait3A_180] : memref<320000x128xf32, #tpu.memory_space<hbm>> -> memref<200x128xf32, #tpu.memory_space<hbm>>
    tpu.wait_dma2 semaphore(%arg12 : memref<!tpu.dma_semaphore, #tpu.memory_space<semaphore_mem>>) src(%dma_wait3A_181 : memref<200x128xf32, #tpu.memory_space<hbm>>) dst(%dma_wait3A_178 : memref<200x128xf32, #tpu.memory_space<vmem>>)
    %add3A_182 = arith.constant 400 : i32
    %add3A_183 = arith.addi %mul3A_4, %add3A_182 : i32
    %dma_start3A_184 = arith.constant 2 : i32
    %dma_start3A_185 = arith.constant 0 : i32
    %dma_start3A_186 = arith.constant 0 : i32
    %dma_start3A_187 = tpu.memref_slice %arg9[%dma_start3A_184, %dma_start3A_185, %dma_start3A_186] : memref<3x200x128xf32, #tpu.memory_space<vmem>> -> memref<1x200x128xf32, #tpu.memory_space<vmem>>
    %dma_start3A_188 = tpu.memref_squeeze %dma_start3A_187 : memref<1x200x128xf32, #tpu.memory_space<vmem>> -> memref<200x128xf32, #tpu.memory_space<vmem>>
    %dma_start3A_189 = arith.constant 0 : i32
    %dma_start3A_190 = tpu.memref_slice %arg4[%add3A_183, %dma_start3A_189] : memref<320000x128xf32, #tpu.memory_space<hbm>> -> memref<200x128xf32, #tpu.memory_space<hbm>>
    %dma_start3A_191 = arith.constant 0 : i32
    %dma_start3A_192 = tpu.memref_slice %arg4[%add3A_183, %dma_start3A_191] : memref<320000x128xf32, #tpu.memory_space<hbm>> -> memref<200x128xf32, #tpu.memory_space<hbm>>
    %dma_start3A_193 = arith.constant 0 : i32
    %dma_start3A_194 = arith.constant 0 : i32
    %dma_start3A_195 = tpu.memref_slice %arg9[%dma_start3A_184, %dma_start3A_193, %dma_start3A_194] : memref<3x200x128xf32, #tpu.memory_space<vmem>> -> memref<1x200x128xf32, #tpu.memory_space<vmem>>
    %dma_start3A_196 = tpu.memref_squeeze %dma_start3A_195 : memref<1x200x128xf32, #tpu.memory_space<vmem>> -> memref<200x128xf32, #tpu.memory_space<vmem>>
    tpu.enqueue_dma source(%dma_start3A_196 : memref<200x128xf32, #tpu.memory_space<vmem>>) target(%dma_start3A_192 : memref<200x128xf32, #tpu.memory_space<hbm>>) target_semaphore(%arg15 : memref<!tpu.dma_semaphore, #tpu.memory_space<semaphore_mem>>)
    %dma_wait3A_197 = arith.constant 1 : i32
    %dma_wait3A_198 = arith.constant 0 : i32
    %dma_wait3A_199 = arith.constant 0 : i32
    %dma_wait3A_200 = tpu.memref_slice %arg9[%dma_wait3A_197, %dma_wait3A_198, %dma_wait3A_199] : memref<3x200x128xf32, #tpu.memory_space<vmem>> -> memref<1x200x128xf32, #tpu.memory_space<vmem>>
    %dma_wait3A_201 = tpu.memref_squeeze %dma_wait3A_200 : memref<1x200x128xf32, #tpu.memory_space<vmem>> -> memref<200x128xf32, #tpu.memory_space<vmem>>
    %dma_wait3A_202 = arith.constant 0 : i32
    %dma_wait3A_203 = arith.constant 0 : i32
    %dma_wait3A_204 = tpu.memref_slice %arg4[%dma_wait3A_202, %dma_wait3A_203] : memref<320000x128xf32, #tpu.memory_space<hbm>> -> memref<200x128xf32, #tpu.memory_space<hbm>>
    %dma_wait3A_205 = arith.constant 0 : i32
    %dma_wait3A_206 = arith.constant 0 : i32
    %dma_wait3A_207 = tpu.memref_slice %arg4[%dma_wait3A_205, %dma_wait3A_206] : memref<320000x128xf32, #tpu.memory_space<hbm>> -> memref<200x128xf32, #tpu.memory_space<hbm>>
    %dma_wait3A_208 = arith.constant 0 : i32
    %dma_wait3A_209 = arith.constant 0 : i32
    %dma_wait3A_210 = tpu.memref_slice %arg9[%dma_wait3A_197, %dma_wait3A_208, %dma_wait3A_209] : memref<3x200x128xf32, #tpu.memory_space<vmem>> -> memref<1x200x128xf32, #tpu.memory_space<vmem>>
    %dma_wait3A_211 = tpu.memref_squeeze %dma_wait3A_210 : memref<1x200x128xf32, #tpu.memory_space<vmem>> -> memref<200x128xf32, #tpu.memory_space<vmem>>
    tpu.wait_dma2 semaphore(%arg14 : memref<!tpu.dma_semaphore, #tpu.memory_space<semaphore_mem>>) src(%dma_wait3A_211 : memref<200x128xf32, #tpu.memory_space<vmem>>) dst(%dma_wait3A_207 : memref<200x128xf32, #tpu.memory_space<hbm>>)
    %dma_start3A_212 = arith.constant 1 : i32
    %dma_start3A_213 = arith.constant 0 : i32
    %dma_start3A_214 = arith.constant 0 : i32
    %dma_start3A_215 = tpu.memref_slice %arg9[%dma_start3A_212, %dma_start3A_213, %dma_start3A_214] : memref<3x200x128xf32, #tpu.memory_space<vmem>> -> memref<1x128x128xf32, #tpu.memory_space<vmem>>
    %dma_start3A_216 = tpu.memref_squeeze %dma_start3A_215 : memref<1x128x128xf32, #tpu.memory_space<vmem>> -> memref<128x128xf32, #tpu.memory_space<vmem>>
    %dma_start3A_217 = arith.constant 800 : i32
    %dma_start3A_218 = tpu.memref_slice %arg6[%dma_start3A_217] : memref<10000xi32, #tpu.memory_space<vmem>> -> memref<128xi32, #tpu.memory_space<vmem>>
    %dma_start3A_219 = arith.constant 0 : i32
    %dma_start3A_220 = arith.constant 0 : i32
    %dma_start3A_221 = tpu.memref_slice %arg5[%dma_start3A_219, %dma_start3A_220] : memref<60x128xf32, #tpu.memory_space<vmem_shared>> -> memref<60x128xf32, #tpu.memory_space<vmem_shared>>
    tpu.enqueue_indirect_dma source(%dma_start3A_221 : memref<60x128xf32, #tpu.memory_space<vmem_shared>>) target(%dma_start3A_216 : memref<128x128xf32, #tpu.memory_space<vmem>>) offsets(%dma_start3A_218 : memref<128xi32, #tpu.memory_space<vmem>>) semaphore(%arg11 : memref<!tpu.dma_semaphore, #tpu.memory_space<semaphore_mem>>)
    %dma_start3A_222 = arith.constant 1 : i32
    %dma_start3A_223 = arith.constant 128 : i32
    %dma_start3A_224 = arith.constant 0 : i32
    %dma_start3A_225 = tpu.memref_slice %arg9[%dma_start3A_222, %dma_start3A_223, %dma_start3A_224] : memref<3x200x128xf32, #tpu.memory_space<vmem>> -> memref<1x72x128xf32, #tpu.memory_space<vmem>>
    %dma_start3A_226 = tpu.memref_squeeze %dma_start3A_225 : memref<1x72x128xf32, #tpu.memory_space<vmem>> -> memref<72x128xf32, #tpu.memory_space<vmem>>
    %dma_start3A_227 = arith.constant 928 : i32
    %dma_start3A_228 = tpu.memref_slice %arg6[%dma_start3A_227] : memref<10000xi32, #tpu.memory_space<vmem>> -> memref<72xi32, #tpu.memory_space<vmem>>
    %dma_start3A_229 = arith.constant 0 : i32
    %dma_start3A_230 = arith.constant 0 : i32
    %dma_start3A_231 = tpu.memref_slice %arg5[%dma_start3A_229, %dma_start3A_230] : memref<60x128xf32, #tpu.memory_space<vmem_shared>> -> memref<60x128xf32, #tpu.memory_space<vmem_shared>>
    tpu.enqueue_indirect_dma source(%dma_start3A_231 : memref<60x128xf32, #tpu.memory_space<vmem_shared>>) target(%dma_start3A_226 : memref<72x128xf32, #tpu.memory_space<vmem>>) offsets(%dma_start3A_228 : memref<72xi32, #tpu.memory_space<vmem>>) semaphore(%arg11 : memref<!tpu.dma_semaphore, #tpu.memory_space<semaphore_mem>>)
    %scan3A_232 = arith.constant 0 : i32
    %scan3A_233 = arith.constant 1 : i32
    %scan3A_234 = arith.constant 14 : i32
    %scan3A_235 = arith.addi %scan3A_233, %scan3A_234 : i32
    %scan3A_236 = arith.constant 1 : i32
    scf.for %scan3A_538 = %scan3A_233 to %scan3A_235 step %scan3A_236  : i32 {
      %mul3A_539 = arith.constant 3 : i32
      %mul3A_540 = arith.muli %mul3A_539, %scan3A_538 : i32
      %dma_wait3A_541 = arith.constant 0 : i32
      %dma_wait3A_542 = arith.constant 0 : i32
      %dma_wait3A_543 = arith.constant 0 : i32
      %dma_wait3A_544 = tpu.memref_slice %arg9[%dma_wait3A_541, %dma_wait3A_542, %dma_wait3A_543] : memref<3x200x128xf32, #tpu.memory_space<vmem>> -> memref<1x200x128xf32, #tpu.memory_space<vmem>>
      %dma_wait3A_545 = tpu.memref_squeeze %dma_wait3A_544 : memref<1x200x128xf32, #tpu.memory_space<vmem>> -> memref<200x128xf32, #tpu.memory_space<vmem>>
      %dma_wait3A_546 = arith.constant 0 : i32
      %dma_wait3A_547 = arith.constant 0 : i32
      %dma_wait3A_548 = tpu.memref_slice %arg4[%dma_wait3A_546, %dma_wait3A_547] : memref<320000x128xf32, #tpu.memory_space<hbm>> -> memref<200x128xf32, #tpu.memory_space<hbm>>
      %dma_wait3A_549 = arith.constant 0 : i32
      %dma_wait3A_550 = arith.constant 0 : i32
      %dma_wait3A_551 = tpu.memref_slice %arg9[%dma_wait3A_541, %dma_wait3A_549, %dma_wait3A_550] : memref<3x200x128xf32, #tpu.memory_space<vmem>> -> memref<1x200x128xf32, #tpu.memory_space<vmem>>
      %dma_wait3A_552 = tpu.memref_squeeze %dma_wait3A_551 : memref<1x200x128xf32, #tpu.memory_space<vmem>> -> memref<200x128xf32, #tpu.memory_space<vmem>>
      %dma_wait3A_553 = arith.constant 0 : i32
      %dma_wait3A_554 = arith.constant 0 : i32
      %dma_wait3A_555 = tpu.memref_slice %arg4[%dma_wait3A_553, %dma_wait3A_554] : memref<320000x128xf32, #tpu.memory_space<hbm>> -> memref<200x128xf32, #tpu.memory_space<hbm>>
      tpu.wait_dma2 semaphore(%arg10 : memref<!tpu.dma_semaphore, #tpu.memory_space<semaphore_mem>>) src(%dma_wait3A_555 : memref<200x128xf32, #tpu.memory_space<hbm>>) dst(%dma_wait3A_552 : memref<200x128xf32, #tpu.memory_space<vmem>>)
      %mul3A_556 = arith.constant 200 : i32
      %mul3A_557 = arith.muli %mul3A_540, %mul3A_556 : i32
      %add3A_558 = arith.addi %mul3A_4, %mul3A_557 : i32
      %dma_start3A_559 = arith.constant 0 : i32
      %dma_start3A_560 = arith.constant 0 : i32
      %dma_start3A_561 = arith.constant 0 : i32
      %dma_start3A_562 = tpu.memref_slice %arg9[%dma_start3A_559, %dma_start3A_560, %dma_start3A_561] : memref<3x200x128xf32, #tpu.memory_space<vmem>> -> memref<1x200x128xf32, #tpu.memory_space<vmem>>
      %dma_start3A_563 = tpu.memref_squeeze %dma_start3A_562 : memref<1x200x128xf32, #tpu.memory_space<vmem>> -> memref<200x128xf32, #tpu.memory_space<vmem>>
      %dma_start3A_564 = arith.constant 0 : i32
      %dma_start3A_565 = tpu.memref_slice %arg4[%add3A_558, %dma_start3A_564] : memref<320000x128xf32, #tpu.memory_space<hbm>> -> memref<200x128xf32, #tpu.memory_space<hbm>>
      %dma_start3A_566 = arith.constant 0 : i32
      %dma_start3A_567 = tpu.memref_slice %arg4[%add3A_558, %dma_start3A_566] : memref<320000x128xf32, #tpu.memory_space<hbm>> -> memref<200x128xf32, #tpu.memory_space<hbm>>
      %dma_start3A_568 = arith.constant 0 : i32
      %dma_start3A_569 = arith.constant 0 : i32
      %dma_start3A_570 = tpu.memref_slice %arg9[%dma_start3A_559, %dma_start3A_568, %dma_start3A_569] : memref<3x200x128xf32, #tpu.memory_space<vmem>> -> memref<1x200x128xf32, #tpu.memory_space<vmem>>
      %dma_start3A_571 = tpu.memref_squeeze %dma_start3A_570 : memref<1x200x128xf32, #tpu.memory_space<vmem>> -> memref<200x128xf32, #tpu.memory_space<vmem>>
      tpu.enqueue_dma source(%dma_start3A_571 : memref<200x128xf32, #tpu.memory_space<vmem>>) target(%dma_start3A_567 : memref<200x128xf32, #tpu.memory_space<hbm>>) target_semaphore(%arg13 : memref<!tpu.dma_semaphore, #tpu.memory_space<semaphore_mem>>)
      %dma_wait3A_572 = arith.constant 2 : i32
      %dma_wait3A_573 = arith.constant 0 : i32
      %dma_wait3A_574 = arith.constant 0 : i32
      %dma_wait3A_575 = tpu.memref_slice %arg9[%dma_wait3A_572, %dma_wait3A_573, %dma_wait3A_574] : memref<3x200x128xf32, #tpu.memory_space<vmem>> -> memref<1x200x128xf32, #tpu.memory_space<vmem>>
      %dma_wait3A_576 = tpu.memref_squeeze %dma_wait3A_575 : memref<1x200x128xf32, #tpu.memory_space<vmem>> -> memref<200x128xf32, #tpu.memory_space<vmem>>
      %dma_wait3A_577 = arith.constant 0 : i32
      %dma_wait3A_578 = arith.constant 0 : i32
      %dma_wait3A_579 = tpu.memref_slice %arg4[%dma_wait3A_577, %dma_wait3A_578] : memref<320000x128xf32, #tpu.memory_space<hbm>> -> memref<200x128xf32, #tpu.memory_space<hbm>>
      %dma_wait3A_580 = arith.constant 0 : i32
      %dma_wait3A_581 = arith.constant 0 : i32
      %dma_wait3A_582 = tpu.memref_slice %arg4[%dma_wait3A_580, %dma_wait3A_581] : memref<320000x128xf32, #tpu.memory_space<hbm>> -> memref<200x128xf32, #tpu.memory_space<hbm>>
      %dma_wait3A_583 = arith.constant 0 : i32
      %dma_wait3A_584 = arith.constant 0 : i32
      %dma_wait3A_585 = tpu.memref_slice %arg9[%dma_wait3A_572, %dma_wait3A_583, %dma_wait3A_584] : memref<3x200x128xf32, #tpu.memory_space<vmem>> -> memref<1x200x128xf32, #tpu.memory_space<vmem>>
      %dma_wait3A_586 = tpu.memref_squeeze %dma_wait3A_585 : memref<1x200x128xf32, #tpu.memory_space<vmem>> -> memref<200x128xf32, #tpu.memory_space<vmem>>
      tpu.wait_dma2 semaphore(%arg15 : memref<!tpu.dma_semaphore, #tpu.memory_space<semaphore_mem>>) src(%dma_wait3A_586 : memref<200x128xf32, #tpu.memory_space<vmem>>) dst(%dma_wait3A_582 : memref<200x128xf32, #tpu.memory_space<hbm>>)
      %add3A_587 = arith.constant 2 : i32
      %add3A_588 = arith.addi %mul3A_540, %add3A_587 : i32
      %mul3A_589 = arith.constant 200 : i32
      %mul3A_590 = arith.muli %add3A_588, %mul3A_589 : i32
      %add3A_591 = arith.constant 0 : i32
      %add3A_592 = arith.addi %mul3A_590, %add3A_591 : i32
      %dma_start3A_593 = arith.constant 2 : i32
      %dma_start3A_594 = arith.constant 0 : i32
      %dma_start3A_595 = arith.constant 0 : i32
      %dma_start3A_596 = tpu.memref_slice %arg9[%dma_start3A_593, %dma_start3A_594, %dma_start3A_595] : memref<3x200x128xf32, #tpu.memory_space<vmem>> -> memref<1x128x128xf32, #tpu.memory_space<vmem>>
      %dma_start3A_597 = tpu.memref_squeeze %dma_start3A_596 : memref<1x128x128xf32, #tpu.memory_space<vmem>> -> memref<128x128xf32, #tpu.memory_space<vmem>>
      %dma_start3A_598 = tpu.memref_slice %arg6[%add3A_592] : memref<10000xi32, #tpu.memory_space<vmem>> -> memref<128xi32, #tpu.memory_space<vmem>>
      %dma_start3A_599 = arith.constant 0 : i32
      %dma_start3A_600 = arith.constant 0 : i32
      %dma_start3A_601 = tpu.memref_slice %arg5[%dma_start3A_599, %dma_start3A_600] : memref<60x128xf32, #tpu.memory_space<vmem_shared>> -> memref<60x128xf32, #tpu.memory_space<vmem_shared>>
      tpu.enqueue_indirect_dma source(%dma_start3A_601 : memref<60x128xf32, #tpu.memory_space<vmem_shared>>) target(%dma_start3A_597 : memref<128x128xf32, #tpu.memory_space<vmem>>) offsets(%dma_start3A_598 : memref<128xi32, #tpu.memory_space<vmem>>) semaphore(%arg12 : memref<!tpu.dma_semaphore, #tpu.memory_space<semaphore_mem>>)
      %mul3A_602 = arith.constant 200 : i32
      %mul3A_603 = arith.muli %add3A_588, %mul3A_602 : i32
      %add3A_604 = arith.constant 128 : i32
      %add3A_605 = arith.addi %mul3A_603, %add3A_604 : i32
      %dma_start3A_606 = arith.constant 2 : i32
      %dma_start3A_607 = arith.constant 128 : i32
      %dma_start3A_608 = arith.constant 0 : i32
      %dma_start3A_609 = tpu.memref_slice %arg9[%dma_start3A_606, %dma_start3A_607, %dma_start3A_608] : memref<3x200x128xf32, #tpu.memory_space<vmem>> -> memref<1x72x128xf32, #tpu.memory_space<vmem>>
      %dma_start3A_610 = tpu.memref_squeeze %dma_start3A_609 : memref<1x72x128xf32, #tpu.memory_space<vmem>> -> memref<72x128xf32, #tpu.memory_space<vmem>>
      %dma_start3A_611 = tpu.memref_slice %arg6[%add3A_605] : memref<10000xi32, #tpu.memory_space<vmem>> -> memref<72xi32, #tpu.memory_space<vmem>>
      %dma_start3A_612 = arith.constant 0 : i32
      %dma_start3A_613 = arith.constant 0 : i32
      %dma_start3A_614 = tpu.memref_slice %arg5[%dma_start3A_612, %dma_start3A_613] : memref<60x128xf32, #tpu.memory_space<vmem_shared>> -> memref<60x128xf32, #tpu.memory_space<vmem_shared>>
      tpu.enqueue_indirect_dma source(%dma_start3A_614 : memref<60x128xf32, #tpu.memory_space<vmem_shared>>) target(%dma_start3A_610 : memref<72x128xf32, #tpu.memory_space<vmem>>) offsets(%dma_start3A_611 : memref<72xi32, #tpu.memory_space<vmem>>) semaphore(%arg12 : memref<!tpu.dma_semaphore, #tpu.memory_space<semaphore_mem>>)
      %add3A_615 = arith.constant 1 : i32
      %add3A_616 = arith.addi %mul3A_540, %add3A_615 : i32
      %dma_wait3A_617 = arith.constant 1 : i32
      %dma_wait3A_618 = arith.constant 0 : i32
      %dma_wait3A_619 = arith.constant 0 : i32
      %dma_wait3A_620 = tpu.memref_slice %arg9[%dma_wait3A_617, %dma_wait3A_618, %dma_wait3A_619] : memref<3x200x128xf32, #tpu.memory_space<vmem>> -> memref<1x200x128xf32, #tpu.memory_space<vmem>>
      %dma_wait3A_621 = tpu.memref_squeeze %dma_wait3A_620 : memref<1x200x128xf32, #tpu.memory_space<vmem>> -> memref<200x128xf32, #tpu.memory_space<vmem>>
      %dma_wait3A_622 = arith.constant 0 : i32
      %dma_wait3A_623 = arith.constant 0 : i32
      %dma_wait3A_624 = tpu.memref_slice %arg4[%dma_wait3A_622, %dma_wait3A_623] : memref<320000x128xf32, #tpu.memory_space<hbm>> -> memref<200x128xf32, #tpu.memory_space<hbm>>
      %dma_wait3A_625 = arith.constant 0 : i32
      %dma_wait3A_626 = arith.constant 0 : i32
      %dma_wait3A_627 = tpu.memref_slice %arg9[%dma_wait3A_617, %dma_wait3A_625, %dma_wait3A_626] : memref<3x200x128xf32, #tpu.memory_space<vmem>> -> memref<1x200x128xf32, #tpu.memory_space<vmem>>
      %dma_wait3A_628 = tpu.memref_squeeze %dma_wait3A_627 : memref<1x200x128xf32, #tpu.memory_space<vmem>> -> memref<200x128xf32, #tpu.memory_space<vmem>>
      %dma_wait3A_629 = arith.constant 0 : i32
      %dma_wait3A_630 = arith.constant 0 : i32
      %dma_wait3A_631 = tpu.memref_slice %arg4[%dma_wait3A_629, %dma_wait3A_630] : memref<320000x128xf32, #tpu.memory_space<hbm>> -> memref<200x128xf32, #tpu.memory_space<hbm>>
      tpu.wait_dma2 semaphore(%arg11 : memref<!tpu.dma_semaphore, #tpu.memory_space<semaphore_mem>>) src(%dma_wait3A_631 : memref<200x128xf32, #tpu.memory_space<hbm>>) dst(%dma_wait3A_628 : memref<200x128xf32, #tpu.memory_space<vmem>>)
      %mul3A_632 = arith.constant 200 : i32
      %mul3A_633 = arith.muli %add3A_616, %mul3A_632 : i32
      %add3A_634 = arith.addi %mul3A_4, %mul3A_633 : i32
      %dma_start3A_635 = arith.constant 1 : i32
      %dma_start3A_636 = arith.constant 0 : i32
      %dma_start3A_637 = arith.constant 0 : i32
      %dma_start3A_638 = tpu.memref_slice %arg9[%dma_start3A_635, %dma_start3A_636, %dma_start3A_637] : memref<3x200x128xf32, #tpu.memory_space<vmem>> -> memref<1x200x128xf32, #tpu.memory_space<vmem>>
      %dma_start3A_639 = tpu.memref_squeeze %dma_start3A_638 : memref<1x200x128xf32, #tpu.memory_space<vmem>> -> memref<200x128xf32, #tpu.memory_space<vmem>>
      %dma_start3A_640 = arith.constant 0 : i32
      %dma_start3A_641 = tpu.memref_slice %arg4[%add3A_634, %dma_start3A_640] : memref<320000x128xf32, #tpu.memory_space<hbm>> -> memref<200x128xf32, #tpu.memory_space<hbm>>
      %dma_start3A_642 = arith.constant 0 : i32
      %dma_start3A_643 = tpu.memref_slice %arg4[%add3A_634, %dma_start3A_642] : memref<320000x128xf32, #tpu.memory_space<hbm>> -> memref<200x128xf32, #tpu.memory_space<hbm>>
      %dma_start3A_644 = arith.constant 0 : i32
      %dma_start3A_645 = arith.constant 0 : i32
      %dma_start3A_646 = tpu.memref_slice %arg9[%dma_start3A_635, %dma_start3A_644, %dma_start3A_645] : memref<3x200x128xf32, #tpu.memory_space<vmem>> -> memref<1x200x128xf32, #tpu.memory_space<vmem>>
      %dma_start3A_647 = tpu.memref_squeeze %dma_start3A_646 : memref<1x200x128xf32, #tpu.memory_space<vmem>> -> memref<200x128xf32, #tpu.memory_space<vmem>>
      tpu.enqueue_dma source(%dma_start3A_647 : memref<200x128xf32, #tpu.memory_space<vmem>>) target(%dma_start3A_643 : memref<200x128xf32, #tpu.memory_space<hbm>>) target_semaphore(%arg14 : memref<!tpu.dma_semaphore, #tpu.memory_space<semaphore_mem>>)
      %dma_wait3A_648 = arith.constant 0 : i32
      %dma_wait3A_649 = arith.constant 0 : i32
      %dma_wait3A_650 = arith.constant 0 : i32
      %dma_wait3A_651 = tpu.memref_slice %arg9[%dma_wait3A_648, %dma_wait3A_649, %dma_wait3A_650] : memref<3x200x128xf32, #tpu.memory_space<vmem>> -> memref<1x200x128xf32, #tpu.memory_space<vmem>>
      %dma_wait3A_652 = tpu.memref_squeeze %dma_wait3A_651 : memref<1x200x128xf32, #tpu.memory_space<vmem>> -> memref<200x128xf32, #tpu.memory_space<vmem>>
      %dma_wait3A_653 = arith.constant 0 : i32
      %dma_wait3A_654 = arith.constant 0 : i32
      %dma_wait3A_655 = tpu.memref_slice %arg4[%dma_wait3A_653, %dma_wait3A_654] : memref<320000x128xf32, #tpu.memory_space<hbm>> -> memref<200x128xf32, #tpu.memory_space<hbm>>
      %dma_wait3A_656 = arith.constant 0 : i32
      %dma_wait3A_657 = arith.constant 0 : i32
      %dma_wait3A_658 = tpu.memref_slice %arg4[%dma_wait3A_656, %dma_wait3A_657] : memref<320000x128xf32, #tpu.memory_space<hbm>> -> memref<200x128xf32, #tpu.memory_space<hbm>>
      %dma_wait3A_659 = arith.constant 0 : i32
      %dma_wait3A_660 = arith.constant 0 : i32
      %dma_wait3A_661 = tpu.memref_slice %arg9[%dma_wait3A_648, %dma_wait3A_659, %dma_wait3A_660] : memref<3x200x128xf32, #tpu.memory_space<vmem>> -> memref<1x200x128xf32, #tpu.memory_space<vmem>>
      %dma_wait3A_662 = tpu.memref_squeeze %dma_wait3A_661 : memref<1x200x128xf32, #tpu.memory_space<vmem>> -> memref<200x128xf32, #tpu.memory_space<vmem>>
      tpu.wait_dma2 semaphore(%arg13 : memref<!tpu.dma_semaphore, #tpu.memory_space<semaphore_mem>>) src(%dma_wait3A_662 : memref<200x128xf32, #tpu.memory_space<vmem>>) dst(%dma_wait3A_658 : memref<200x128xf32, #tpu.memory_space<hbm>>)
      %add3A_663 = arith.constant 2 : i32
      %add3A_664 = arith.addi %add3A_616, %add3A_663 : i32
      %mul3A_665 = arith.constant 200 : i32
      %mul3A_666 = arith.muli %add3A_664, %mul3A_665 : i32
      %add3A_667 = arith.constant 0 : i32
      %add3A_668 = arith.addi %mul3A_666, %add3A_667 : i32
      %dma_start3A_669 = arith.constant 0 : i32
      %dma_start3A_670 = arith.constant 0 : i32
      %dma_start3A_671 = arith.constant 0 : i32
      %dma_start3A_672 = tpu.memref_slice %arg9[%dma_start3A_669, %dma_start3A_670, %dma_start3A_671] : memref<3x200x128xf32, #tpu.memory_space<vmem>> -> memref<1x128x128xf32, #tpu.memory_space<vmem>>
      %dma_start3A_673 = tpu.memref_squeeze %dma_start3A_672 : memref<1x128x128xf32, #tpu.memory_space<vmem>> -> memref<128x128xf32, #tpu.memory_space<vmem>>
      %dma_start3A_674 = tpu.memref_slice %arg6[%add3A_668] : memref<10000xi32, #tpu.memory_space<vmem>> -> memref<128xi32, #tpu.memory_space<vmem>>
      %dma_start3A_675 = arith.constant 0 : i32
      %dma_start3A_676 = arith.constant 0 : i32
      %dma_start3A_677 = tpu.memref_slice %arg5[%dma_start3A_675, %dma_start3A_676] : memref<60x128xf32, #tpu.memory_space<vmem_shared>> -> memref<60x128xf32, #tpu.memory_space<vmem_shared>>
      tpu.enqueue_indirect_dma source(%dma_start3A_677 : memref<60x128xf32, #tpu.memory_space<vmem_shared>>) target(%dma_start3A_673 : memref<128x128xf32, #tpu.memory_space<vmem>>) offsets(%dma_start3A_674 : memref<128xi32, #tpu.memory_space<vmem>>) semaphore(%arg10 : memref<!tpu.dma_semaphore, #tpu.memory_space<semaphore_mem>>)
      %mul3A_678 = arith.constant 200 : i32
      %mul3A_679 = arith.muli %add3A_664, %mul3A_678 : i32
      %add3A_680 = arith.constant 128 : i32
      %add3A_681 = arith.addi %mul3A_679, %add3A_680 : i32
      %dma_start3A_682 = arith.constant 0 : i32
      %dma_start3A_683 = arith.constant 128 : i32
      %dma_start3A_684 = arith.constant 0 : i32
      %dma_start3A_685 = tpu.memref_slice %arg9[%dma_start3A_682, %dma_start3A_683, %dma_start3A_684] : memref<3x200x128xf32, #tpu.memory_space<vmem>> -> memref<1x72x128xf32, #tpu.memory_space<vmem>>
      %dma_start3A_686 = tpu.memref_squeeze %dma_start3A_685 : memref<1x72x128xf32, #tpu.memory_space<vmem>> -> memref<72x128xf32, #tpu.memory_space<vmem>>
      %dma_start3A_687 = tpu.memref_slice %arg6[%add3A_681] : memref<10000xi32, #tpu.memory_space<vmem>> -> memref<72xi32, #tpu.memory_space<vmem>>
      %dma_start3A_688 = arith.constant 0 : i32
      %dma_start3A_689 = arith.constant 0 : i32
      %dma_start3A_690 = tpu.memref_slice %arg5[%dma_start3A_688, %dma_start3A_689] : memref<60x128xf32, #tpu.memory_space<vmem_shared>> -> memref<60x128xf32, #tpu.memory_space<vmem_shared>>
      tpu.enqueue_indirect_dma source(%dma_start3A_690 : memref<60x128xf32, #tpu.memory_space<vmem_shared>>) target(%dma_start3A_686 : memref<72x128xf32, #tpu.memory_space<vmem>>) offsets(%dma_start3A_687 : memref<72xi32, #tpu.memory_space<vmem>>) semaphore(%arg10 : memref<!tpu.dma_semaphore, #tpu.memory_space<semaphore_mem>>)
      %add3A_691 = arith.constant 2 : i32
      %add3A_692 = arith.addi %mul3A_540, %add3A_691 : i32
      %dma_wait3A_693 = arith.constant 2 : i32
      %dma_wait3A_694 = arith.constant 0 : i32
      %dma_wait3A_695 = arith.constant 0 : i32
      %dma_wait3A_696 = tpu.memref_slice %arg9[%dma_wait3A_693, %dma_wait3A_694, %dma_wait3A_695] : memref<3x200x128xf32, #tpu.memory_space<vmem>> -> memref<1x200x128xf32, #tpu.memory_space<vmem>>
      %dma_wait3A_697 = tpu.memref_squeeze %dma_wait3A_696 : memref<1x200x128xf32, #tpu.memory_space<vmem>> -> memref<200x128xf32, #tpu.memory_space<vmem>>
      %dma_wait3A_698 = arith.constant 0 : i32
      %dma_wait3A_699 = arith.constant 0 : i32
      %dma_wait3A_700 = tpu.memref_slice %arg4[%dma_wait3A_698, %dma_wait3A_699] : memref<320000x128xf32, #tpu.memory_space<hbm>> -> memref<200x128xf32, #tpu.memory_space<hbm>>
      %dma_wait3A_701 = arith.constant 0 : i32
      %dma_wait3A_702 = arith.constant 0 : i32
      %dma_wait3A_703 = tpu.memref_slice %arg9[%dma_wait3A_693, %dma_wait3A_701, %dma_wait3A_702] : memref<3x200x128xf32, #tpu.memory_space<vmem>> -> memref<1x200x128xf32, #tpu.memory_space<vmem>>
      %dma_wait3A_704 = tpu.memref_squeeze %dma_wait3A_703 : memref<1x200x128xf32, #tpu.memory_space<vmem>> -> memref<200x128xf32, #tpu.memory_space<vmem>>
      %dma_wait3A_705 = arith.constant 0 : i32
      %dma_wait3A_706 = arith.constant 0 : i32
      %dma_wait3A_707 = tpu.memref_slice %arg4[%dma_wait3A_705, %dma_wait3A_706] : memref<320000x128xf32, #tpu.memory_space<hbm>> -> memref<200x128xf32, #tpu.memory_space<hbm>>
      tpu.wait_dma2 semaphore(%arg12 : memref<!tpu.dma_semaphore, #tpu.memory_space<semaphore_mem>>) src(%dma_wait3A_707 : memref<200x128xf32, #tpu.memory_space<hbm>>) dst(%dma_wait3A_704 : memref<200x128xf32, #tpu.memory_space<vmem>>)
      %mul3A_708 = arith.constant 200 : i32
      %mul3A_709 = arith.muli %add3A_692, %mul3A_708 : i32
      %add3A_710 = arith.addi %mul3A_4, %mul3A_709 : i32
      %dma_start3A_711 = arith.constant 2 : i32
      %dma_start3A_712 = arith.constant 0 : i32
      %dma_start3A_713 = arith.constant 0 : i32
      %dma_start3A_714 = tpu.memref_slice %arg9[%dma_start3A_711, %dma_start3A_712, %dma_start3A_713] : memref<3x200x128xf32, #tpu.memory_space<vmem>> -> memref<1x200x128xf32, #tpu.memory_space<vmem>>
      %dma_start3A_715 = tpu.memref_squeeze %dma_start3A_714 : memref<1x200x128xf32, #tpu.memory_space<vmem>> -> memref<200x128xf32, #tpu.memory_space<vmem>>
      %dma_start3A_716 = arith.constant 0 : i32
      %dma_start3A_717 = tpu.memref_slice %arg4[%add3A_710, %dma_start3A_716] : memref<320000x128xf32, #tpu.memory_space<hbm>> -> memref<200x128xf32, #tpu.memory_space<hbm>>
      %dma_start3A_718 = arith.constant 0 : i32
      %dma_start3A_719 = tpu.memref_slice %arg4[%add3A_710, %dma_start3A_718] : memref<320000x128xf32, #tpu.memory_space<hbm>> -> memref<200x128xf32, #tpu.memory_space<hbm>>
      %dma_start3A_720 = arith.constant 0 : i32
      %dma_start3A_721 = arith.constant 0 : i32
      %dma_start3A_722 = tpu.memref_slice %arg9[%dma_start3A_711, %dma_start3A_720, %dma_start3A_721] : memref<3x200x128xf32, #tpu.memory_space<vmem>> -> memref<1x200x128xf32, #tpu.memory_space<vmem>>
      %dma_start3A_723 = tpu.memref_squeeze %dma_start3A_722 : memref<1x200x128xf32, #tpu.memory_space<vmem>> -> memref<200x128xf32, #tpu.memory_space<vmem>>
      tpu.enqueue_dma source(%dma_start3A_723 : memref<200x128xf32, #tpu.memory_space<vmem>>) target(%dma_start3A_719 : memref<200x128xf32, #tpu.memory_space<hbm>>) target_semaphore(%arg15 : memref<!tpu.dma_semaphore, #tpu.memory_space<semaphore_mem>>)
      %dma_wait3A_724 = arith.constant 1 : i32
      %dma_wait3A_725 = arith.constant 0 : i32
      %dma_wait3A_726 = arith.constant 0 : i32
      %dma_wait3A_727 = tpu.memref_slice %arg9[%dma_wait3A_724, %dma_wait3A_725, %dma_wait3A_726] : memref<3x200x128xf32, #tpu.memory_space<vmem>> -> memref<1x200x128xf32, #tpu.memory_space<vmem>>
      %dma_wait3A_728 = tpu.memref_squeeze %dma_wait3A_727 : memref<1x200x128xf32, #tpu.memory_space<vmem>> -> memref<200x128xf32, #tpu.memory_space<vmem>>
      %dma_wait3A_729 = arith.constant 0 : i32
      %dma_wait3A_730 = arith.constant 0 : i32
      %dma_wait3A_731 = tpu.memref_slice %arg4[%dma_wait3A_729, %dma_wait3A_730] : memref<320000x128xf32, #tpu.memory_space<hbm>> -> memref<200x128xf32, #tpu.memory_space<hbm>>
      %dma_wait3A_732 = arith.constant 0 : i32
      %dma_wait3A_733 = arith.constant 0 : i32
      %dma_wait3A_734 = tpu.memref_slice %arg4[%dma_wait3A_732, %dma_wait3A_733] : memref<320000x128xf32, #tpu.memory_space<hbm>> -> memref<200x128xf32, #tpu.memory_space<hbm>>
      %dma_wait3A_735 = arith.constant 0 : i32
      %dma_wait3A_736 = arith.constant 0 : i32
      %dma_wait3A_737 = tpu.memref_slice %arg9[%dma_wait3A_724, %dma_wait3A_735, %dma_wait3A_736] : memref<3x200x128xf32, #tpu.memory_space<vmem>> -> memref<1x200x128xf32, #tpu.memory_space<vmem>>
      %dma_wait3A_738 = tpu.memref_squeeze %dma_wait3A_737 : memref<1x200x128xf32, #tpu.memory_space<vmem>> -> memref<200x128xf32, #tpu.memory_space<vmem>>
      tpu.wait_dma2 semaphore(%arg14 : memref<!tpu.dma_semaphore, #tpu.memory_space<semaphore_mem>>) src(%dma_wait3A_738 : memref<200x128xf32, #tpu.memory_space<vmem>>) dst(%dma_wait3A_734 : memref<200x128xf32, #tpu.memory_space<hbm>>)
      %add3A_739 = arith.constant 2 : i32
      %add3A_740 = arith.addi %add3A_692, %add3A_739 : i32
      %mul3A_741 = arith.constant 200 : i32
      %mul3A_742 = arith.muli %add3A_740, %mul3A_741 : i32
      %add3A_743 = arith.constant 0 : i32
      %add3A_744 = arith.addi %mul3A_742, %add3A_743 : i32
      %dma_start3A_745 = arith.constant 1 : i32
      %dma_start3A_746 = arith.constant 0 : i32
      %dma_start3A_747 = arith.constant 0 : i32
      %dma_start3A_748 = tpu.memref_slice %arg9[%dma_start3A_745, %dma_start3A_746, %dma_start3A_747] : memref<3x200x128xf32, #tpu.memory_space<vmem>> -> memref<1x128x128xf32, #tpu.memory_space<vmem>>
      %dma_start3A_749 = tpu.memref_squeeze %dma_start3A_748 : memref<1x128x128xf32, #tpu.memory_space<vmem>> -> memref<128x128xf32, #tpu.memory_space<vmem>>
      %dma_start3A_750 = tpu.memref_slice %arg6[%add3A_744] : memref<10000xi32, #tpu.memory_space<vmem>> -> memref<128xi32, #tpu.memory_space<vmem>>
      %dma_start3A_751 = arith.constant 0 : i32
      %dma_start3A_752 = arith.constant 0 : i32
      %dma_start3A_753 = tpu.memref_slice %arg5[%dma_start3A_751, %dma_start3A_752] : memref<60x128xf32, #tpu.memory_space<vmem_shared>> -> memref<60x128xf32, #tpu.memory_space<vmem_shared>>
      tpu.enqueue_indirect_dma source(%dma_start3A_753 : memref<60x128xf32, #tpu.memory_space<vmem_shared>>) target(%dma_start3A_749 : memref<128x128xf32, #tpu.memory_space<vmem>>) offsets(%dma_start3A_750 : memref<128xi32, #tpu.memory_space<vmem>>) semaphore(%arg11 : memref<!tpu.dma_semaphore, #tpu.memory_space<semaphore_mem>>)
      %mul3A_754 = arith.constant 200 : i32
      %mul3A_755 = arith.muli %add3A_740, %mul3A_754 : i32
      %add3A_756 = arith.constant 128 : i32
      %add3A_757 = arith.addi %mul3A_755, %add3A_756 : i32
      %dma_start3A_758 = arith.constant 1 : i32
      %dma_start3A_759 = arith.constant 128 : i32
      %dma_start3A_760 = arith.constant 0 : i32
      %dma_start3A_761 = tpu.memref_slice %arg9[%dma_start3A_758, %dma_start3A_759, %dma_start3A_760] : memref<3x200x128xf32, #tpu.memory_space<vmem>> -> memref<1x72x128xf32, #tpu.memory_space<vmem>>
      %dma_start3A_762 = tpu.memref_squeeze %dma_start3A_761 : memref<1x72x128xf32, #tpu.memory_space<vmem>> -> memref<72x128xf32, #tpu.memory_space<vmem>>
      %dma_start3A_763 = tpu.memref_slice %arg6[%add3A_757] : memref<10000xi32, #tpu.memory_space<vmem>> -> memref<72xi32, #tpu.memory_space<vmem>>
      %dma_start3A_764 = arith.constant 0 : i32
      %dma_start3A_765 = arith.constant 0 : i32
      %dma_start3A_766 = tpu.memref_slice %arg5[%dma_start3A_764, %dma_start3A_765] : memref<60x128xf32, #tpu.memory_space<vmem_shared>> -> memref<60x128xf32, #tpu.memory_space<vmem_shared>>
      tpu.enqueue_indirect_dma source(%dma_start3A_766 : memref<60x128xf32, #tpu.memory_space<vmem_shared>>) target(%dma_start3A_762 : memref<72x128xf32, #tpu.memory_space<vmem>>) offsets(%dma_start3A_763 : memref<72xi32, #tpu.memory_space<vmem>>) semaphore(%arg11 : memref<!tpu.dma_semaphore, #tpu.memory_space<semaphore_mem>>)
    }
    %scan3A_237 = arith.constant 14 : i32
    %dma_wait3A_238 = arith.constant 0 : i32
    %dma_wait3A_239 = arith.constant 0 : i32
    %dma_wait3A_240 = arith.constant 0 : i32
    %dma_wait3A_241 = tpu.memref_slice %arg9[%dma_wait3A_238, %dma_wait3A_239, %dma_wait3A_240] : memref<3x200x128xf32, #tpu.memory_space<vmem>> -> memref<1x200x128xf32, #tpu.memory_space<vmem>>
    %dma_wait3A_242 = tpu.memref_squeeze %dma_wait3A_241 : memref<1x200x128xf32, #tpu.memory_space<vmem>> -> memref<200x128xf32, #tpu.memory_space<vmem>>
    %dma_wait3A_243 = arith.constant 0 : i32
    %dma_wait3A_244 = arith.constant 0 : i32
    %dma_wait3A_245 = tpu.memref_slice %arg4[%dma_wait3A_243, %dma_wait3A_244] : memref<320000x128xf32, #tpu.memory_space<hbm>> -> memref<200x128xf32, #tpu.memory_space<hbm>>
    %dma_wait3A_246 = arith.constant 0 : i32
    %dma_wait3A_247 = arith.constant 0 : i32
    %dma_wait3A_248 = tpu.memref_slice %arg9[%dma_wait3A_238, %dma_wait3A_246, %dma_wait3A_247] : memref<3x200x128xf32, #tpu.memory_space<vmem>> -> memref<1x200x128xf32, #tpu.memory_space<vmem>>
    %dma_wait3A_249 = tpu.memref_squeeze %dma_wait3A_248 : memref<1x200x128xf32, #tpu.memory_space<vmem>> -> memref<200x128xf32, #tpu.memory_space<vmem>>
    %dma_wait3A_250 = arith.constant 0 : i32
    %dma_wait3A_251 = arith.constant 0 : i32
    %dma_wait3A_252 = tpu.memref_slice %arg4[%dma_wait3A_250, %dma_wait3A_251] : memref<320000x128xf32, #tpu.memory_space<hbm>> -> memref<200x128xf32, #tpu.memory_space<hbm>>
    tpu.wait_dma2 semaphore(%arg10 : memref<!tpu.dma_semaphore, #tpu.memory_space<semaphore_mem>>) src(%dma_wait3A_252 : memref<200x128xf32, #tpu.memory_space<hbm>>) dst(%dma_wait3A_249 : memref<200x128xf32, #tpu.memory_space<vmem>>)
    %add3A_253 = arith.constant 9000 : i32
    %add3A_254 = arith.addi %mul3A_4, %add3A_253 : i32
    %dma_start3A_255 = arith.constant 0 : i32
    %dma_start3A_256 = arith.constant 0 : i32
    %dma_start3A_257 = arith.constant 0 : i32
    %dma_start3A_258 = tpu.memref_slice %arg9[%dma_start3A_255, %dma_start3A_256, %dma_start3A_257] : memref<3x200x128xf32, #tpu.memory_space<vmem>> -> memref<1x200x128xf32, #tpu.memory_space<vmem>>
    %dma_start3A_259 = tpu.memref_squeeze %dma_start3A_258 : memref<1x200x128xf32, #tpu.memory_space<vmem>> -> memref<200x128xf32, #tpu.memory_space<vmem>>
    %dma_start3A_260 = arith.constant 0 : i32
    %dma_start3A_261 = tpu.memref_slice %arg4[%add3A_254, %dma_start3A_260] : memref<320000x128xf32, #tpu.memory_space<hbm>> -> memref<200x128xf32, #tpu.memory_space<hbm>>
    %dma_start3A_262 = arith.constant 0 : i32
    %dma_start3A_263 = tpu.memref_slice %arg4[%add3A_254, %dma_start3A_262] : memref<320000x128xf32, #tpu.memory_space<hbm>> -> memref<200x128xf32, #tpu.memory_space<hbm>>
    %dma_start3A_264 = arith.constant 0 : i32
    %dma_start3A_265 = arith.constant 0 : i32
    %dma_start3A_266 = tpu.memref_slice %arg9[%dma_start3A_255, %dma_start3A_264, %dma_start3A_265] : memref<3x200x128xf32, #tpu.memory_space<vmem>> -> memref<1x200x128xf32, #tpu.memory_space<vmem>>
    %dma_start3A_267 = tpu.memref_squeeze %dma_start3A_266 : memref<1x200x128xf32, #tpu.memory_space<vmem>> -> memref<200x128xf32, #tpu.memory_space<vmem>>
    tpu.enqueue_dma source(%dma_start3A_267 : memref<200x128xf32, #tpu.memory_space<vmem>>) target(%dma_start3A_263 : memref<200x128xf32, #tpu.memory_space<hbm>>) target_semaphore(%arg13 : memref<!tpu.dma_semaphore, #tpu.memory_space<semaphore_mem>>)
    %dma_wait3A_268 = arith.constant 2 : i32
    %dma_wait3A_269 = arith.constant 0 : i32
    %dma_wait3A_270 = arith.constant 0 : i32
    %dma_wait3A_271 = tpu.memref_slice %arg9[%dma_wait3A_268, %dma_wait3A_269, %dma_wait3A_270] : memref<3x200x128xf32, #tpu.memory_space<vmem>> -> memref<1x200x128xf32, #tpu.memory_space<vmem>>
    %dma_wait3A_272 = tpu.memref_squeeze %dma_wait3A_271 : memref<1x200x128xf32, #tpu.memory_space<vmem>> -> memref<200x128xf32, #tpu.memory_space<vmem>>
    %dma_wait3A_273 = arith.constant 0 : i32
    %dma_wait3A_274 = arith.constant 0 : i32
    %dma_wait3A_275 = tpu.memref_slice %arg4[%dma_wait3A_273, %dma_wait3A_274] : memref<320000x128xf32, #tpu.memory_space<hbm>> -> memref<200x128xf32, #tpu.memory_space<hbm>>
    %dma_wait3A_276 = arith.constant 0 : i32
    %dma_wait3A_277 = arith.constant 0 : i32
    %dma_wait3A_278 = tpu.memref_slice %arg4[%dma_wait3A_276, %dma_wait3A_277] : memref<320000x128xf32, #tpu.memory_space<hbm>> -> memref<200x128xf32, #tpu.memory_space<hbm>>
    %dma_wait3A_279 = arith.constant 0 : i32
    %dma_wait3A_280 = arith.constant 0 : i32
    %dma_wait3A_281 = tpu.memref_slice %arg9[%dma_wait3A_268, %dma_wait3A_279, %dma_wait3A_280] : memref<3x200x128xf32, #tpu.memory_space<vmem>> -> memref<1x200x128xf32, #tpu.memory_space<vmem>>
    %dma_wait3A_282 = tpu.memref_squeeze %dma_wait3A_281 : memref<1x200x128xf32, #tpu.memory_space<vmem>> -> memref<200x128xf32, #tpu.memory_space<vmem>>
    tpu.wait_dma2 semaphore(%arg15 : memref<!tpu.dma_semaphore, #tpu.memory_space<semaphore_mem>>) src(%dma_wait3A_282 : memref<200x128xf32, #tpu.memory_space<vmem>>) dst(%dma_wait3A_278 : memref<200x128xf32, #tpu.memory_space<hbm>>)
    %dma_start3A_283 = arith.constant 2 : i32
    %dma_start3A_284 = arith.constant 0 : i32
    %dma_start3A_285 = arith.constant 0 : i32
    %dma_start3A_286 = tpu.memref_slice %arg9[%dma_start3A_283, %dma_start3A_284, %dma_start3A_285] : memref<3x200x128xf32, #tpu.memory_space<vmem>> -> memref<1x128x128xf32, #tpu.memory_space<vmem>>
    %dma_start3A_287 = tpu.memref_squeeze %dma_start3A_286 : memref<1x128x128xf32, #tpu.memory_space<vmem>> -> memref<128x128xf32, #tpu.memory_space<vmem>>
    %dma_start3A_288 = arith.constant 9400 : i32
    %dma_start3A_289 = tpu.memref_slice %arg6[%dma_start3A_288] : memref<10000xi32, #tpu.memory_space<vmem>> -> memref<128xi32, #tpu.memory_space<vmem>>
    %dma_start3A_290 = arith.constant 0 : i32
    %dma_start3A_291 = arith.constant 0 : i32
    %dma_start3A_292 = tpu.memref_slice %arg5[%dma_start3A_290, %dma_start3A_291] : memref<60x128xf32, #tpu.memory_space<vmem_shared>> -> memref<60x128xf32, #tpu.memory_space<vmem_shared>>
    tpu.enqueue_indirect_dma source(%dma_start3A_292 : memref<60x128xf32, #tpu.memory_space<vmem_shared>>) target(%dma_start3A_287 : memref<128x128xf32, #tpu.memory_space<vmem>>) offsets(%dma_start3A_289 : memref<128xi32, #tpu.memory_space<vmem>>) semaphore(%arg12 : memref<!tpu.dma_semaphore, #tpu.memory_space<semaphore_mem>>)
    %dma_start3A_293 = arith.constant 2 : i32
    %dma_start3A_294 = arith.constant 128 : i32
    %dma_start3A_295 = arith.constant 0 : i32
    %dma_start3A_296 = tpu.memref_slice %arg9[%dma_start3A_293, %dma_start3A_294, %dma_start3A_295] : memref<3x200x128xf32, #tpu.memory_space<vmem>> -> memref<1x72x128xf32, #tpu.memory_space<vmem>>
    %dma_start3A_297 = tpu.memref_squeeze %dma_start3A_296 : memref<1x72x128xf32, #tpu.memory_space<vmem>> -> memref<72x128xf32, #tpu.memory_space<vmem>>
    %dma_start3A_298 = arith.constant 9528 : i32
    %dma_start3A_299 = tpu.memref_slice %arg6[%dma_start3A_298] : memref<10000xi32, #tpu.memory_space<vmem>> -> memref<72xi32, #tpu.memory_space<vmem>>
    %dma_start3A_300 = arith.constant 0 : i32
    %dma_start3A_301 = arith.constant 0 : i32
    %dma_start3A_302 = tpu.memref_slice %arg5[%dma_start3A_300, %dma_start3A_301] : memref<60x128xf32, #tpu.memory_space<vmem_shared>> -> memref<60x128xf32, #tpu.memory_space<vmem_shared>>
    tpu.enqueue_indirect_dma source(%dma_start3A_302 : memref<60x128xf32, #tpu.memory_space<vmem_shared>>) target(%dma_start3A_297 : memref<72x128xf32, #tpu.memory_space<vmem>>) offsets(%dma_start3A_299 : memref<72xi32, #tpu.memory_space<vmem>>) semaphore(%arg12 : memref<!tpu.dma_semaphore, #tpu.memory_space<semaphore_mem>>)
    %dma_wait3A_303 = arith.constant 1 : i32
    %dma_wait3A_304 = arith.constant 0 : i32
    %dma_wait3A_305 = arith.constant 0 : i32
    %dma_wait3A_306 = tpu.memref_slice %arg9[%dma_wait3A_303, %dma_wait3A_304, %dma_wait3A_305] : memref<3x200x128xf32, #tpu.memory_space<vmem>> -> memref<1x200x128xf32, #tpu.memory_space<vmem>>
    %dma_wait3A_307 = tpu.memref_squeeze %dma_wait3A_306 : memref<1x200x128xf32, #tpu.memory_space<vmem>> -> memref<200x128xf32, #tpu.memory_space<vmem>>
    %dma_wait3A_308 = arith.constant 0 : i32
    %dma_wait3A_309 = arith.constant 0 : i32
    %dma_wait3A_310 = tpu.memref_slice %arg4[%dma_wait3A_308, %dma_wait3A_309] : memref<320000x128xf32, #tpu.memory_space<hbm>> -> memref<200x128xf32, #tpu.memory_space<hbm>>
    %dma_wait3A_311 = arith.constant 0 : i32
    %dma_wait3A_312 = arith.constant 0 : i32
    %dma_wait3A_313 = tpu.memref_slice %arg9[%dma_wait3A_303, %dma_wait3A_311, %dma_wait3A_312] : memref<3x200x128xf32, #tpu.memory_space<vmem>> -> memref<1x200x128xf32, #tpu.memory_space<vmem>>
    %dma_wait3A_314 = tpu.memref_squeeze %dma_wait3A_313 : memref<1x200x128xf32, #tpu.memory_space<vmem>> -> memref<200x128xf32, #tpu.memory_space<vmem>>
    %dma_wait3A_315 = arith.constant 0 : i32
    %dma_wait3A_316 = arith.constant 0 : i32
    %dma_wait3A_317 = tpu.memref_slice %arg4[%dma_wait3A_315, %dma_wait3A_316] : memref<320000x128xf32, #tpu.memory_space<hbm>> -> memref<200x128xf32, #tpu.memory_space<hbm>>
    tpu.wait_dma2 semaphore(%arg11 : memref<!tpu.dma_semaphore, #tpu.memory_space<semaphore_mem>>) src(%dma_wait3A_317 : memref<200x128xf32, #tpu.memory_space<hbm>>) dst(%dma_wait3A_314 : memref<200x128xf32, #tpu.memory_space<vmem>>)
    %add3A_318 = arith.constant 9200 : i32
    %add3A_319 = arith.addi %mul3A_4, %add3A_318 : i32
    %dma_start3A_320 = arith.constant 1 : i32
    %dma_start3A_321 = arith.constant 0 : i32
    %dma_start3A_322 = arith.constant 0 : i32
    %dma_start3A_323 = tpu.memref_slice %arg9[%dma_start3A_320, %dma_start3A_321, %dma_start3A_322] : memref<3x200x128xf32, #tpu.memory_space<vmem>> -> memref<1x200x128xf32, #tpu.memory_space<vmem>>
    %dma_start3A_324 = tpu.memref_squeeze %dma_start3A_323 : memref<1x200x128xf32, #tpu.memory_space<vmem>> -> memref<200x128xf32, #tpu.memory_space<vmem>>
    %dma_start3A_325 = arith.constant 0 : i32
    %dma_start3A_326 = tpu.memref_slice %arg4[%add3A_319, %dma_start3A_325] : memref<320000x128xf32, #tpu.memory_space<hbm>> -> memref<200x128xf32, #tpu.memory_space<hbm>>
    %dma_start3A_327 = arith.constant 0 : i32
    %dma_start3A_328 = tpu.memref_slice %arg4[%add3A_319, %dma_start3A_327] : memref<320000x128xf32, #tpu.memory_space<hbm>> -> memref<200x128xf32, #tpu.memory_space<hbm>>
    %dma_start3A_329 = arith.constant 0 : i32
    %dma_start3A_330 = arith.constant 0 : i32
    %dma_start3A_331 = tpu.memref_slice %arg9[%dma_start3A_320, %dma_start3A_329, %dma_start3A_330] : memref<3x200x128xf32, #tpu.memory_space<vmem>> -> memref<1x200x128xf32, #tpu.memory_space<vmem>>
    %dma_start3A_332 = tpu.memref_squeeze %dma_start3A_331 : memref<1x200x128xf32, #tpu.memory_space<vmem>> -> memref<200x128xf32, #tpu.memory_space<vmem>>
    tpu.enqueue_dma source(%dma_start3A_332 : memref<200x128xf32, #tpu.memory_space<vmem>>) target(%dma_start3A_328 : memref<200x128xf32, #tpu.memory_space<hbm>>) target_semaphore(%arg14 : memref<!tpu.dma_semaphore, #tpu.memory_space<semaphore_mem>>)
    %dma_wait3A_333 = arith.constant 0 : i32
    %dma_wait3A_334 = arith.constant 0 : i32
    %dma_wait3A_335 = arith.constant 0 : i32
    %dma_wait3A_336 = tpu.memref_slice %arg9[%dma_wait3A_333, %dma_wait3A_334, %dma_wait3A_335] : memref<3x200x128xf32, #tpu.memory_space<vmem>> -> memref<1x200x128xf32, #tpu.memory_space<vmem>>
    %dma_wait3A_337 = tpu.memref_squeeze %dma_wait3A_336 : memref<1x200x128xf32, #tpu.memory_space<vmem>> -> memref<200x128xf32, #tpu.memory_space<vmem>>
    %dma_wait3A_338 = arith.constant 0 : i32
    %dma_wait3A_339 = arith.constant 0 : i32
    %dma_wait3A_340 = tpu.memref_slice %arg4[%dma_wait3A_338, %dma_wait3A_339] : memref<320000x128xf32, #tpu.memory_space<hbm>> -> memref<200x128xf32, #tpu.memory_space<hbm>>
    %dma_wait3A_341 = arith.constant 0 : i32
    %dma_wait3A_342 = arith.constant 0 : i32
    %dma_wait3A_343 = tpu.memref_slice %arg4[%dma_wait3A_341, %dma_wait3A_342] : memref<320000x128xf32, #tpu.memory_space<hbm>> -> memref<200x128xf32, #tpu.memory_space<hbm>>
    %dma_wait3A_344 = arith.constant 0 : i32
    %dma_wait3A_345 = arith.constant 0 : i32
    %dma_wait3A_346 = tpu.memref_slice %arg9[%dma_wait3A_333, %dma_wait3A_344, %dma_wait3A_345] : memref<3x200x128xf32, #tpu.memory_space<vmem>> -> memref<1x200x128xf32, #tpu.memory_space<vmem>>
    %dma_wait3A_347 = tpu.memref_squeeze %dma_wait3A_346 : memref<1x200x128xf32, #tpu.memory_space<vmem>> -> memref<200x128xf32, #tpu.memory_space<vmem>>
    tpu.wait_dma2 semaphore(%arg13 : memref<!tpu.dma_semaphore, #tpu.memory_space<semaphore_mem>>) src(%dma_wait3A_347 : memref<200x128xf32, #tpu.memory_space<vmem>>) dst(%dma_wait3A_343 : memref<200x128xf32, #tpu.memory_space<hbm>>)
    %dma_start3A_348 = arith.constant 0 : i32
    %dma_start3A_349 = arith.constant 0 : i32
    %dma_start3A_350 = arith.constant 0 : i32
    %dma_start3A_351 = tpu.memref_slice %arg9[%dma_start3A_348, %dma_start3A_349, %dma_start3A_350] : memref<3x200x128xf32, #tpu.memory_space<vmem>> -> memref<1x128x128xf32, #tpu.memory_space<vmem>>
    %dma_start3A_352 = tpu.memref_squeeze %dma_start3A_351 : memref<1x128x128xf32, #tpu.memory_space<vmem>> -> memref<128x128xf32, #tpu.memory_space<vmem>>
    %dma_start3A_353 = arith.constant 9600 : i32
    %dma_start3A_354 = tpu.memref_slice %arg6[%dma_start3A_353] : memref<10000xi32, #tpu.memory_space<vmem>> -> memref<128xi32, #tpu.memory_space<vmem>>
    %dma_start3A_355 = arith.constant 0 : i32
    %dma_start3A_356 = arith.constant 0 : i32
    %dma_start3A_357 = tpu.memref_slice %arg5[%dma_start3A_355, %dma_start3A_356] : memref<60x128xf32, #tpu.memory_space<vmem_shared>> -> memref<60x128xf32, #tpu.memory_space<vmem_shared>>
    tpu.enqueue_indirect_dma source(%dma_start3A_357 : memref<60x128xf32, #tpu.memory_space<vmem_shared>>) target(%dma_start3A_352 : memref<128x128xf32, #tpu.memory_space<vmem>>) offsets(%dma_start3A_354 : memref<128xi32, #tpu.memory_space<vmem>>) semaphore(%arg10 : memref<!tpu.dma_semaphore, #tpu.memory_space<semaphore_mem>>)
    %dma_start3A_358 = arith.constant 0 : i32
    %dma_start3A_359 = arith.constant 128 : i32
    %dma_start3A_360 = arith.constant 0 : i32
    %dma_start3A_361 = tpu.memref_slice %arg9[%dma_start3A_358, %dma_start3A_359, %dma_start3A_360] : memref<3x200x128xf32, #tpu.memory_space<vmem>> -> memref<1x72x128xf32, #tpu.memory_space<vmem>>
    %dma_start3A_362 = tpu.memref_squeeze %dma_start3A_361 : memref<1x72x128xf32, #tpu.memory_space<vmem>> -> memref<72x128xf32, #tpu.memory_space<vmem>>
    %dma_start3A_363 = arith.constant 9728 : i32
    %dma_start3A_364 = tpu.memref_slice %arg6[%dma_start3A_363] : memref<10000xi32, #tpu.memory_space<vmem>> -> memref<72xi32, #tpu.memory_space<vmem>>
    %dma_start3A_365 = arith.constant 0 : i32
    %dma_start3A_366 = arith.constant 0 : i32
    %dma_start3A_367 = tpu.memref_slice %arg5[%dma_start3A_365, %dma_start3A_366] : memref<60x128xf32, #tpu.memory_space<vmem_shared>> -> memref<60x128xf32, #tpu.memory_space<vmem_shared>>
    tpu.enqueue_indirect_dma source(%dma_start3A_367 : memref<60x128xf32, #tpu.memory_space<vmem_shared>>) target(%dma_start3A_362 : memref<72x128xf32, #tpu.memory_space<vmem>>) offsets(%dma_start3A_364 : memref<72xi32, #tpu.memory_space<vmem>>) semaphore(%arg10 : memref<!tpu.dma_semaphore, #tpu.memory_space<semaphore_mem>>)
    %dma_wait3A_368 = arith.constant 2 : i32
    %dma_wait3A_369 = arith.constant 0 : i32
    %dma_wait3A_370 = arith.constant 0 : i32
    %dma_wait3A_371 = tpu.memref_slice %arg9[%dma_wait3A_368, %dma_wait3A_369, %dma_wait3A_370] : memref<3x200x128xf32, #tpu.memory_space<vmem>> -> memref<1x200x128xf32, #tpu.memory_space<vmem>>
    %dma_wait3A_372 = tpu.memref_squeeze %dma_wait3A_371 : memref<1x200x128xf32, #tpu.memory_space<vmem>> -> memref<200x128xf32, #tpu.memory_space<vmem>>
    %dma_wait3A_373 = arith.constant 0 : i32
    %dma_wait3A_374 = arith.constant 0 : i32
    %dma_wait3A_375 = tpu.memref_slice %arg4[%dma_wait3A_373, %dma_wait3A_374] : memref<320000x128xf32, #tpu.memory_space<hbm>> -> memref<200x128xf32, #tpu.memory_space<hbm>>
    %dma_wait3A_376 = arith.constant 0 : i32
    %dma_wait3A_377 = arith.constant 0 : i32
    %dma_wait3A_378 = tpu.memref_slice %arg9[%dma_wait3A_368, %dma_wait3A_376, %dma_wait3A_377] : memref<3x200x128xf32, #tpu.memory_space<vmem>> -> memref<1x200x128xf32, #tpu.memory_space<vmem>>
    %dma_wait3A_379 = tpu.memref_squeeze %dma_wait3A_378 : memref<1x200x128xf32, #tpu.memory_space<vmem>> -> memref<200x128xf32, #tpu.memory_space<vmem>>
    %dma_wait3A_380 = arith.constant 0 : i32
    %dma_wait3A_381 = arith.constant 0 : i32
    %dma_wait3A_382 = tpu.memref_slice %arg4[%dma_wait3A_380, %dma_wait3A_381] : memref<320000x128xf32, #tpu.memory_space<hbm>> -> memref<200x128xf32, #tpu.memory_space<hbm>>
    tpu.wait_dma2 semaphore(%arg12 : memref<!tpu.dma_semaphore, #tpu.memory_space<semaphore_mem>>) src(%dma_wait3A_382 : memref<200x128xf32, #tpu.memory_space<hbm>>) dst(%dma_wait3A_379 : memref<200x128xf32, #tpu.memory_space<vmem>>)
    %add3A_383 = arith.constant 9400 : i32
    %add3A_384 = arith.addi %mul3A_4, %add3A_383 : i32
    %dma_start3A_385 = arith.constant 2 : i32
    %dma_start3A_386 = arith.constant 0 : i32
    %dma_start3A_387 = arith.constant 0 : i32
    %dma_start3A_388 = tpu.memref_slice %arg9[%dma_start3A_385, %dma_start3A_386, %dma_start3A_387] : memref<3x200x128xf32, #tpu.memory_space<vmem>> -> memref<1x200x128xf32, #tpu.memory_space<vmem>>
    %dma_start3A_389 = tpu.memref_squeeze %dma_start3A_388 : memref<1x200x128xf32, #tpu.memory_space<vmem>> -> memref<200x128xf32, #tpu.memory_space<vmem>>
    %dma_start3A_390 = arith.constant 0 : i32
    %dma_start3A_391 = tpu.memref_slice %arg4[%add3A_384, %dma_start3A_390] : memref<320000x128xf32, #tpu.memory_space<hbm>> -> memref<200x128xf32, #tpu.memory_space<hbm>>
    %dma_start3A_392 = arith.constant 0 : i32
    %dma_start3A_393 = tpu.memref_slice %arg4[%add3A_384, %dma_start3A_392] : memref<320000x128xf32, #tpu.memory_space<hbm>> -> memref<200x128xf32, #tpu.memory_space<hbm>>
    %dma_start3A_394 = arith.constant 0 : i32
    %dma_start3A_395 = arith.constant 0 : i32
    %dma_start3A_396 = tpu.memref_slice %arg9[%dma_start3A_385, %dma_start3A_394, %dma_start3A_395] : memref<3x200x128xf32, #tpu.memory_space<vmem>> -> memref<1x200x128xf32, #tpu.memory_space<vmem>>
    %dma_start3A_397 = tpu.memref_squeeze %dma_start3A_396 : memref<1x200x128xf32, #tpu.memory_space<vmem>> -> memref<200x128xf32, #tpu.memory_space<vmem>>
    tpu.enqueue_dma source(%dma_start3A_397 : memref<200x128xf32, #tpu.memory_space<vmem>>) target(%dma_start3A_393 : memref<200x128xf32, #tpu.memory_space<hbm>>) target_semaphore(%arg15 : memref<!tpu.dma_semaphore, #tpu.memory_space<semaphore_mem>>)
    %dma_wait3A_398 = arith.constant 1 : i32
    %dma_wait3A_399 = arith.constant 0 : i32
    %dma_wait3A_400 = arith.constant 0 : i32
    %dma_wait3A_401 = tpu.memref_slice %arg9[%dma_wait3A_398, %dma_wait3A_399, %dma_wait3A_400] : memref<3x200x128xf32, #tpu.memory_space<vmem>> -> memref<1x200x128xf32, #tpu.memory_space<vmem>>
    %dma_wait3A_402 = tpu.memref_squeeze %dma_wait3A_401 : memref<1x200x128xf32, #tpu.memory_space<vmem>> -> memref<200x128xf32, #tpu.memory_space<vmem>>
    %dma_wait3A_403 = arith.constant 0 : i32
    %dma_wait3A_404 = arith.constant 0 : i32
    %dma_wait3A_405 = tpu.memref_slice %arg4[%dma_wait3A_403, %dma_wait3A_404] : memref<320000x128xf32, #tpu.memory_space<hbm>> -> memref<200x128xf32, #tpu.memory_space<hbm>>
    %dma_wait3A_406 = arith.constant 0 : i32
    %dma_wait3A_407 = arith.constant 0 : i32
    %dma_wait3A_408 = tpu.memref_slice %arg4[%dma_wait3A_406, %dma_wait3A_407] : memref<320000x128xf32, #tpu.memory_space<hbm>> -> memref<200x128xf32, #tpu.memory_space<hbm>>
    %dma_wait3A_409 = arith.constant 0 : i32
    %dma_wait3A_410 = arith.constant 0 : i32
    %dma_wait3A_411 = tpu.memref_slice %arg9[%dma_wait3A_398, %dma_wait3A_409, %dma_wait3A_410] : memref<3x200x128xf32, #tpu.memory_space<vmem>> -> memref<1x200x128xf32, #tpu.memory_space<vmem>>
    %dma_wait3A_412 = tpu.memref_squeeze %dma_wait3A_411 : memref<1x200x128xf32, #tpu.memory_space<vmem>> -> memref<200x128xf32, #tpu.memory_space<vmem>>
    tpu.wait_dma2 semaphore(%arg14 : memref<!tpu.dma_semaphore, #tpu.memory_space<semaphore_mem>>) src(%dma_wait3A_412 : memref<200x128xf32, #tpu.memory_space<vmem>>) dst(%dma_wait3A_408 : memref<200x128xf32, #tpu.memory_space<hbm>>)
    %dma_start3A_413 = arith.constant 1 : i32
    %dma_start3A_414 = arith.constant 0 : i32
    %dma_start3A_415 = arith.constant 0 : i32
    %dma_start3A_416 = tpu.memref_slice %arg9[%dma_start3A_413, %dma_start3A_414, %dma_start3A_415] : memref<3x200x128xf32, #tpu.memory_space<vmem>> -> memref<1x128x128xf32, #tpu.memory_space<vmem>>
    %dma_start3A_417 = tpu.memref_squeeze %dma_start3A_416 : memref<1x128x128xf32, #tpu.memory_space<vmem>> -> memref<128x128xf32, #tpu.memory_space<vmem>>
    %dma_start3A_418 = arith.constant 9800 : i32
    %dma_start3A_419 = tpu.memref_slice %arg6[%dma_start3A_418] : memref<10000xi32, #tpu.memory_space<vmem>> -> memref<128xi32, #tpu.memory_space<vmem>>
    %dma_start3A_420 = arith.constant 0 : i32
    %dma_start3A_421 = arith.constant 0 : i32
    %dma_start3A_422 = tpu.memref_slice %arg5[%dma_start3A_420, %dma_start3A_421] : memref<60x128xf32, #tpu.memory_space<vmem_shared>> -> memref<60x128xf32, #tpu.memory_space<vmem_shared>>
    tpu.enqueue_indirect_dma source(%dma_start3A_422 : memref<60x128xf32, #tpu.memory_space<vmem_shared>>) target(%dma_start3A_417 : memref<128x128xf32, #tpu.memory_space<vmem>>) offsets(%dma_start3A_419 : memref<128xi32, #tpu.memory_space<vmem>>) semaphore(%arg11 : memref<!tpu.dma_semaphore, #tpu.memory_space<semaphore_mem>>)
    %dma_start3A_423 = arith.constant 1 : i32
    %dma_start3A_424 = arith.constant 128 : i32
    %dma_start3A_425 = arith.constant 0 : i32
    %dma_start3A_426 = tpu.memref_slice %arg9[%dma_start3A_423, %dma_start3A_424, %dma_start3A_425] : memref<3x200x128xf32, #tpu.memory_space<vmem>> -> memref<1x72x128xf32, #tpu.memory_space<vmem>>
    %dma_start3A_427 = tpu.memref_squeeze %dma_start3A_426 : memref<1x72x128xf32, #tpu.memory_space<vmem>> -> memref<72x128xf32, #tpu.memory_space<vmem>>
    %dma_start3A_428 = arith.constant 9928 : i32
    %dma_start3A_429 = tpu.memref_slice %arg6[%dma_start3A_428] : memref<10000xi32, #tpu.memory_space<vmem>> -> memref<72xi32, #tpu.memory_space<vmem>>
    %dma_start3A_430 = arith.constant 0 : i32
    %dma_start3A_431 = arith.constant 0 : i32
    %dma_start3A_432 = tpu.memref_slice %arg5[%dma_start3A_430, %dma_start3A_431] : memref<60x128xf32, #tpu.memory_space<vmem_shared>> -> memref<60x128xf32, #tpu.memory_space<vmem_shared>>
    tpu.enqueue_indirect_dma source(%dma_start3A_432 : memref<60x128xf32, #tpu.memory_space<vmem_shared>>) target(%dma_start3A_427 : memref<72x128xf32, #tpu.memory_space<vmem>>) offsets(%dma_start3A_429 : memref<72xi32, #tpu.memory_space<vmem>>) semaphore(%arg11 : memref<!tpu.dma_semaphore, #tpu.memory_space<semaphore_mem>>)
    %dma_wait3A_433 = arith.constant 0 : i32
    %dma_wait3A_434 = arith.constant 0 : i32
    %dma_wait3A_435 = arith.constant 0 : i32
    %dma_wait3A_436 = tpu.memref_slice %arg9[%dma_wait3A_433, %dma_wait3A_434, %dma_wait3A_435] : memref<3x200x128xf32, #tpu.memory_space<vmem>> -> memref<1x200x128xf32, #tpu.memory_space<vmem>>
    %dma_wait3A_437 = tpu.memref_squeeze %dma_wait3A_436 : memref<1x200x128xf32, #tpu.memory_space<vmem>> -> memref<200x128xf32, #tpu.memory_space<vmem>>
    %dma_wait3A_438 = arith.constant 0 : i32
    %dma_wait3A_439 = arith.constant 0 : i32
    %dma_wait3A_440 = tpu.memref_slice %arg4[%dma_wait3A_438, %dma_wait3A_439] : memref<320000x128xf32, #tpu.memory_space<hbm>> -> memref<200x128xf32, #tpu.memory_space<hbm>>
    %dma_wait3A_441 = arith.constant 0 : i32
    %dma_wait3A_442 = arith.constant 0 : i32
    %dma_wait3A_443 = tpu.memref_slice %arg9[%dma_wait3A_433, %dma_wait3A_441, %dma_wait3A_442] : memref<3x200x128xf32, #tpu.memory_space<vmem>> -> memref<1x200x128xf32, #tpu.memory_space<vmem>>
    %dma_wait3A_444 = tpu.memref_squeeze %dma_wait3A_443 : memref<1x200x128xf32, #tpu.memory_space<vmem>> -> memref<200x128xf32, #tpu.memory_space<vmem>>
    %dma_wait3A_445 = arith.constant 0 : i32
    %dma_wait3A_446 = arith.constant 0 : i32
    %dma_wait3A_447 = tpu.memref_slice %arg4[%dma_wait3A_445, %dma_wait3A_446] : memref<320000x128xf32, #tpu.memory_space<hbm>> -> memref<200x128xf32, #tpu.memory_space<hbm>>
    tpu.wait_dma2 semaphore(%arg10 : memref<!tpu.dma_semaphore, #tpu.memory_space<semaphore_mem>>) src(%dma_wait3A_447 : memref<200x128xf32, #tpu.memory_space<hbm>>) dst(%dma_wait3A_444 : memref<200x128xf32, #tpu.memory_space<vmem>>)
    %add3A_448 = arith.constant 9600 : i32
    %add3A_449 = arith.addi %mul3A_4, %add3A_448 : i32
    %dma_start3A_450 = arith.constant 0 : i32
    %dma_start3A_451 = arith.constant 0 : i32
    %dma_start3A_452 = arith.constant 0 : i32
    %dma_start3A_453 = tpu.memref_slice %arg9[%dma_start3A_450, %dma_start3A_451, %dma_start3A_452] : memref<3x200x128xf32, #tpu.memory_space<vmem>> -> memref<1x200x128xf32, #tpu.memory_space<vmem>>
    %dma_start3A_454 = tpu.memref_squeeze %dma_start3A_453 : memref<1x200x128xf32, #tpu.memory_space<vmem>> -> memref<200x128xf32, #tpu.memory_space<vmem>>
    %dma_start3A_455 = arith.constant 0 : i32
    %dma_start3A_456 = tpu.memref_slice %arg4[%add3A_449, %dma_start3A_455] : memref<320000x128xf32, #tpu.memory_space<hbm>> -> memref<200x128xf32, #tpu.memory_space<hbm>>
    %dma_start3A_457 = arith.constant 0 : i32
    %dma_start3A_458 = tpu.memref_slice %arg4[%add3A_449, %dma_start3A_457] : memref<320000x128xf32, #tpu.memory_space<hbm>> -> memref<200x128xf32, #tpu.memory_space<hbm>>
    %dma_start3A_459 = arith.constant 0 : i32
    %dma_start3A_460 = arith.constant 0 : i32
    %dma_start3A_461 = tpu.memref_slice %arg9[%dma_start3A_450, %dma_start3A_459, %dma_start3A_460] : memref<3x200x128xf32, #tpu.memory_space<vmem>> -> memref<1x200x128xf32, #tpu.memory_space<vmem>>
    %dma_start3A_462 = tpu.memref_squeeze %dma_start3A_461 : memref<1x200x128xf32, #tpu.memory_space<vmem>> -> memref<200x128xf32, #tpu.memory_space<vmem>>
    tpu.enqueue_dma source(%dma_start3A_462 : memref<200x128xf32, #tpu.memory_space<vmem>>) target(%dma_start3A_458 : memref<200x128xf32, #tpu.memory_space<hbm>>) target_semaphore(%arg13 : memref<!tpu.dma_semaphore, #tpu.memory_space<semaphore_mem>>)
    %dma_wait3A_463 = arith.constant 1 : i32
    %dma_wait3A_464 = arith.constant 0 : i32
    %dma_wait3A_465 = arith.constant 0 : i32
    %dma_wait3A_466 = tpu.memref_slice %arg9[%dma_wait3A_463, %dma_wait3A_464, %dma_wait3A_465] : memref<3x200x128xf32, #tpu.memory_space<vmem>> -> memref<1x200x128xf32, #tpu.memory_space<vmem>>
    %dma_wait3A_467 = tpu.memref_squeeze %dma_wait3A_466 : memref<1x200x128xf32, #tpu.memory_space<vmem>> -> memref<200x128xf32, #tpu.memory_space<vmem>>
    %dma_wait3A_468 = arith.constant 0 : i32
    %dma_wait3A_469 = arith.constant 0 : i32
    %dma_wait3A_470 = tpu.memref_slice %arg4[%dma_wait3A_468, %dma_wait3A_469] : memref<320000x128xf32, #tpu.memory_space<hbm>> -> memref<200x128xf32, #tpu.memory_space<hbm>>
    %dma_wait3A_471 = arith.constant 0 : i32
    %dma_wait3A_472 = arith.constant 0 : i32
    %dma_wait3A_473 = tpu.memref_slice %arg9[%dma_wait3A_463, %dma_wait3A_471, %dma_wait3A_472] : memref<3x200x128xf32, #tpu.memory_space<vmem>> -> memref<1x200x128xf32, #tpu.memory_space<vmem>>
    %dma_wait3A_474 = tpu.memref_squeeze %dma_wait3A_473 : memref<1x200x128xf32, #tpu.memory_space<vmem>> -> memref<200x128xf32, #tpu.memory_space<vmem>>
    %dma_wait3A_475 = arith.constant 0 : i32
    %dma_wait3A_476 = arith.constant 0 : i32
    %dma_wait3A_477 = tpu.memref_slice %arg4[%dma_wait3A_475, %dma_wait3A_476] : memref<320000x128xf32, #tpu.memory_space<hbm>> -> memref<200x128xf32, #tpu.memory_space<hbm>>
    tpu.wait_dma2 semaphore(%arg11 : memref<!tpu.dma_semaphore, #tpu.memory_space<semaphore_mem>>) src(%dma_wait3A_477 : memref<200x128xf32, #tpu.memory_space<hbm>>) dst(%dma_wait3A_474 : memref<200x128xf32, #tpu.memory_space<vmem>>)
    %add3A_478 = arith.constant 9800 : i32
    %add3A_479 = arith.addi %mul3A_4, %add3A_478 : i32
    %dma_start3A_480 = arith.constant 1 : i32
    %dma_start3A_481 = arith.constant 0 : i32
    %dma_start3A_482 = arith.constant 0 : i32
    %dma_start3A_483 = tpu.memref_slice %arg9[%dma_start3A_480, %dma_start3A_481, %dma_start3A_482] : memref<3x200x128xf32, #tpu.memory_space<vmem>> -> memref<1x200x128xf32, #tpu.memory_space<vmem>>
    %dma_start3A_484 = tpu.memref_squeeze %dma_start3A_483 : memref<1x200x128xf32, #tpu.memory_space<vmem>> -> memref<200x128xf32, #tpu.memory_space<vmem>>
    %dma_start3A_485 = arith.constant 0 : i32
    %dma_start3A_486 = tpu.memref_slice %arg4[%add3A_479, %dma_start3A_485] : memref<320000x128xf32, #tpu.memory_space<hbm>> -> memref<200x128xf32, #tpu.memory_space<hbm>>
    %dma_start3A_487 = arith.constant 0 : i32
    %dma_start3A_488 = tpu.memref_slice %arg4[%add3A_479, %dma_start3A_487] : memref<320000x128xf32, #tpu.memory_space<hbm>> -> memref<200x128xf32, #tpu.memory_space<hbm>>
    %dma_start3A_489 = arith.constant 0 : i32
    %dma_start3A_490 = arith.constant 0 : i32
    %dma_start3A_491 = tpu.memref_slice %arg9[%dma_start3A_480, %dma_start3A_489, %dma_start3A_490] : memref<3x200x128xf32, #tpu.memory_space<vmem>> -> memref<1x200x128xf32, #tpu.memory_space<vmem>>
    %dma_start3A_492 = tpu.memref_squeeze %dma_start3A_491 : memref<1x200x128xf32, #tpu.memory_space<vmem>> -> memref<200x128xf32, #tpu.memory_space<vmem>>
    tpu.enqueue_dma source(%dma_start3A_492 : memref<200x128xf32, #tpu.memory_space<vmem>>) target(%dma_start3A_488 : memref<200x128xf32, #tpu.memory_space<hbm>>) target_semaphore(%arg14 : memref<!tpu.dma_semaphore, #tpu.memory_space<semaphore_mem>>)
    %dma_wait3A_493 = arith.constant 2 : i32
    %dma_wait3A_494 = arith.constant 0 : i32
    %dma_wait3A_495 = arith.constant 0 : i32
    %dma_wait3A_496 = tpu.memref_slice %arg9[%dma_wait3A_493, %dma_wait3A_494, %dma_wait3A_495] : memref<3x200x128xf32, #tpu.memory_space<vmem>> -> memref<1x200x128xf32, #tpu.memory_space<vmem>>
    %dma_wait3A_497 = tpu.memref_squeeze %dma_wait3A_496 : memref<1x200x128xf32, #tpu.memory_space<vmem>> -> memref<200x128xf32, #tpu.memory_space<vmem>>
    %dma_wait3A_498 = arith.constant 0 : i32
    %dma_wait3A_499 = arith.constant 0 : i32
    %dma_wait3A_500 = tpu.memref_slice %arg4[%dma_wait3A_498, %dma_wait3A_499] : memref<320000x128xf32, #tpu.memory_space<hbm>> -> memref<200x128xf32, #tpu.memory_space<hbm>>
    %dma_wait3A_501 = arith.constant 0 : i32
    %dma_wait3A_502 = arith.constant 0 : i32
    %dma_wait3A_503 = tpu.memref_slice %arg4[%dma_wait3A_501, %dma_wait3A_502] : memref<320000x128xf32, #tpu.memory_space<hbm>> -> memref<200x128xf32, #tpu.memory_space<hbm>>
    %dma_wait3A_504 = arith.constant 0 : i32
    %dma_wait3A_505 = arith.constant 0 : i32
    %dma_wait3A_506 = tpu.memref_slice %arg9[%dma_wait3A_493, %dma_wait3A_504, %dma_wait3A_505] : memref<3x200x128xf32, #tpu.memory_space<vmem>> -> memref<1x200x128xf32, #tpu.memory_space<vmem>>
    %dma_wait3A_507 = tpu.memref_squeeze %dma_wait3A_506 : memref<1x200x128xf32, #tpu.memory_space<vmem>> -> memref<200x128xf32, #tpu.memory_space<vmem>>
    tpu.wait_dma2 semaphore(%arg15 : memref<!tpu.dma_semaphore, #tpu.memory_space<semaphore_mem>>) src(%dma_wait3A_507 : memref<200x128xf32, #tpu.memory_space<vmem>>) dst(%dma_wait3A_503 : memref<200x128xf32, #tpu.memory_space<hbm>>)
    %dma_wait3A_508 = arith.constant 0 : i32
    %dma_wait3A_509 = arith.constant 0 : i32
    %dma_wait3A_510 = arith.constant 0 : i32
    %dma_wait3A_511 = tpu.memref_slice %arg9[%dma_wait3A_508, %dma_wait3A_509, %dma_wait3A_510] : memref<3x200x128xf32, #tpu.memory_space<vmem>> -> memref<1x200x128xf32, #tpu.memory_space<vmem>>
    %dma_wait3A_512 = tpu.memref_squeeze %dma_wait3A_511 : memref<1x200x128xf32, #tpu.memory_space<vmem>> -> memref<200x128xf32, #tpu.memory_space<vmem>>
    %dma_wait3A_513 = arith.constant 0 : i32
    %dma_wait3A_514 = arith.constant 0 : i32
    %dma_wait3A_515 = tpu.memref_slice %arg4[%dma_wait3A_513, %dma_wait3A_514] : memref<320000x128xf32, #tpu.memory_space<hbm>> -> memref<200x128xf32, #tpu.memory_space<hbm>>
    %dma_wait3A_516 = arith.constant 0 : i32
    %dma_wait3A_517 = arith.constant 0 : i32
    %dma_wait3A_518 = tpu.memref_slice %arg4[%dma_wait3A_516, %dma_wait3A_517] : memref<320000x128xf32, #tpu.memory_space<hbm>> -> memref<200x128xf32, #tpu.memory_space<hbm>>
    %dma_wait3A_519 = arith.constant 0 : i32
    %dma_wait3A_520 = arith.constant 0 : i32
    %dma_wait3A_521 = tpu.memref_slice %arg9[%dma_wait3A_508, %dma_wait3A_519, %dma_wait3A_520] : memref<3x200x128xf32, #tpu.memory_space<vmem>> -> memref<1x200x128xf32, #tpu.memory_space<vmem>>
    %dma_wait3A_522 = tpu.memref_squeeze %dma_wait3A_521 : memref<1x200x128xf32, #tpu.memory_space<vmem>> -> memref<200x128xf32, #tpu.memory_space<vmem>>
    tpu.wait_dma2 semaphore(%arg13 : memref<!tpu.dma_semaphore, #tpu.memory_space<semaphore_mem>>) src(%dma_wait3A_522 : memref<200x128xf32, #tpu.memory_space<vmem>>) dst(%dma_wait3A_518 : memref<200x128xf32, #tpu.memory_space<hbm>>)
    %dma_wait3A_523 = arith.constant 1 : i32
    %dma_wait3A_524 = arith.constant 0 : i32
    %dma_wait3A_525 = arith.constant 0 : i32
    %dma_wait3A_526 = tpu.memref_slice %arg9[%dma_wait3A_523, %dma_wait3A_524, %dma_wait3A_525] : memref<3x200x128xf32, #tpu.memory_space<vmem>> -> memref<1x200x128xf32, #tpu.memory_space<vmem>>
    %dma_wait3A_527 = tpu.memref_squeeze %dma_wait3A_526 : memref<1x200x128xf32, #tpu.memory_space<vmem>> -> memref<200x128xf32, #tpu.memory_space<vmem>>
    %dma_wait3A_528 = arith.constant 0 : i32
    %dma_wait3A_529 = arith.constant 0 : i32
    %dma_wait3A_530 = tpu.memref_slice %arg4[%dma_wait3A_528, %dma_wait3A_529] : memref<320000x128xf32, #tpu.memory_space<hbm>> -> memref<200x128xf32, #tpu.memory_space<hbm>>
    %dma_wait3A_531 = arith.constant 0 : i32
    %dma_wait3A_532 = arith.constant 0 : i32
    %dma_wait3A_533 = tpu.memref_slice %arg4[%dma_wait3A_531, %dma_wait3A_532] : memref<320000x128xf32, #tpu.memory_space<hbm>> -> memref<200x128xf32, #tpu.memory_space<hbm>>
    %dma_wait3A_534 = arith.constant 0 : i32
    %dma_wait3A_535 = arith.constant 0 : i32
    %dma_wait3A_536 = tpu.memref_slice %arg9[%dma_wait3A_523, %dma_wait3A_534, %dma_wait3A_535] : memref<3x200x128xf32, #tpu.memory_space<vmem>> -> memref<1x200x128xf32, #tpu.memory_space<vmem>>
    %dma_wait3A_537 = tpu.memref_squeeze %dma_wait3A_536 : memref<1x200x128xf32, #tpu.memory_space<vmem>> -> memref<200x128xf32, #tpu.memory_space<vmem>>
    tpu.wait_dma2 semaphore(%arg14 : memref<!tpu.dma_semaphore, #tpu.memory_space<semaphore_mem>>) src(%dma_wait3A_537 : memref<200x128xf32, #tpu.memory_space<vmem>>) dst(%dma_wait3A_533 : memref<200x128xf32, #tpu.memory_space<hbm>>)
    return
  }
}

module attributes {stable_mosaic.version = 14 : i64} {
  func.func @_table_body(%arg0: memref<5x128xf32, #tpu.memory_space<vmem>>, %arg1: memref<6x128xf32, #tpu.memory_space<vmem>>, %arg2: memref<2x128xf32, #tpu.memory_space<vmem>>, %arg3: memref<60x128xf32, #tpu.memory_space<vmem>>) attributes {dimension_semantics = [], scalar_prefetch = 0 : i64, scratch_operands = 0 : i64, tpu.core_type = #tpu.core_type<tc>} {
    %iota3A = tpu.iota {dimensions = array<i32: 0>} : vector<60x1xi32>
    %jit3A = arith.constant 12 : i32
    %div3A = vector.broadcast %jit3A : i32 to vector<60x1xi32>
    %div3A_0 = arith.divsi %iota3A, %div3A : vector<60x1xi32>
    %sign3A = arith.constant 0 : i32
    %sign3A_1 = vector.broadcast %sign3A : i32 to vector<60x1xi32>
    %sign3A_2 = arith.cmpi sgt, %iota3A, %sign3A_1 : vector<60x1xi32>
    %sign3A_3 = arith.extui %sign3A_2 : vector<60x1xi1> to vector<60x1xi32>
    %sign3A_4 = arith.constant 0 : i32
    %sign3A_5 = vector.broadcast %sign3A_4 : i32 to vector<60x1xi32>
    %sign3A_6 = arith.cmpi slt, %iota3A, %sign3A_5 : vector<60x1xi32>
    %sign3A_7 = arith.extui %sign3A_6 : vector<60x1xi1> to vector<60x1xi32>
    %sign3A_8 = arith.subi %sign3A_3, %sign3A_7 : vector<60x1xi32>
    %sign3A_9 = arith.constant 0 : i32
    %sign3A_10 = arith.cmpi sgt, %jit3A, %sign3A_9 : i32
    %sign3A_11 = arith.extui %sign3A_10 : i1 to i32
    %sign3A_12 = arith.constant 0 : i32
    %sign3A_13 = arith.cmpi slt, %jit3A, %sign3A_12 : i32
    %sign3A_14 = arith.extui %sign3A_13 : i1 to i32
    %sign3A_15 = arith.subi %sign3A_11, %sign3A_14 : i32
    %ne3A = vector.broadcast %sign3A_15 : i32 to vector<60x1xi32>
    %ne3A_16 = arith.cmpi ne, %sign3A_8, %ne3A : vector<60x1xi32>
    %rem3A = vector.broadcast %jit3A : i32 to vector<60x1xi32>
    %rem3A_17 = arith.remsi %iota3A, %rem3A : vector<60x1xi32>
    %ne3A_18 = arith.constant 0 : i32
    %ne3A_19 = vector.broadcast %ne3A_18 : i32 to vector<60x1xi32>
    %ne3A_20 = arith.cmpi ne, %rem3A_17, %ne3A_19 : vector<60x1xi32>
    %and3A = arith.andi %ne3A_16, %ne3A_20 : vector<60x1xi1>
    %sub3A = arith.constant 1 : i32
    %sub3A_21 = vector.broadcast %sub3A : i32 to vector<60x1xi32>
    %sub3A_22 = arith.subi %div3A_0, %sub3A_21 : vector<60x1xi32>
    %select_n3A = arith.select %and3A, %sub3A_22, %div3A_0 : vector<60x1xi1>, vector<60x1xi32>
    %iota3A_23 = tpu.iota {dimensions = array<i32: 1>} : vector<60x5xi32>
    %eq3A = vector.broadcast %select_n3A : vector<60x1xi32> to vector<60x5xi32>
    %eq3A_24 = arith.cmpi eq, %eq3A, %iota3A_23 : vector<60x5xi32>
    %jit3A_25 = arith.constant 2 : i32
    %div3A_26 = vector.broadcast %jit3A_25 : i32 to vector<60x1xi32>
    %div3A_27 = arith.divsi %iota3A, %div3A_26 : vector<60x1xi32>
    %sign3A_28 = arith.constant 0 : i32
    %sign3A_29 = vector.broadcast %sign3A_28 : i32 to vector<60x1xi32>
    %sign3A_30 = arith.cmpi sgt, %iota3A, %sign3A_29 : vector<60x1xi32>
    %sign3A_31 = arith.extui %sign3A_30 : vector<60x1xi1> to vector<60x1xi32>
    %sign3A_32 = arith.constant 0 : i32
    %sign3A_33 = vector.broadcast %sign3A_32 : i32 to vector<60x1xi32>
    %sign3A_34 = arith.cmpi slt, %iota3A, %sign3A_33 : vector<60x1xi32>
    %sign3A_35 = arith.extui %sign3A_34 : vector<60x1xi1> to vector<60x1xi32>
    %sign3A_36 = arith.subi %sign3A_31, %sign3A_35 : vector<60x1xi32>
    %sign3A_37 = arith.constant 0 : i32
    %sign3A_38 = arith.cmpi sgt, %jit3A_25, %sign3A_37 : i32
    %sign3A_39 = arith.extui %sign3A_38 : i1 to i32
    %sign3A_40 = arith.constant 0 : i32
    %sign3A_41 = arith.cmpi slt, %jit3A_25, %sign3A_40 : i32
    %sign3A_42 = arith.extui %sign3A_41 : i1 to i32
    %sign3A_43 = arith.subi %sign3A_39, %sign3A_42 : i32
    %ne3A_44 = vector.broadcast %sign3A_43 : i32 to vector<60x1xi32>
    %ne3A_45 = arith.cmpi ne, %sign3A_36, %ne3A_44 : vector<60x1xi32>
    %rem3A_46 = vector.broadcast %jit3A_25 : i32 to vector<60x1xi32>
    %rem3A_47 = arith.remsi %iota3A, %rem3A_46 : vector<60x1xi32>
    %ne3A_48 = arith.constant 0 : i32
    %ne3A_49 = vector.broadcast %ne3A_48 : i32 to vector<60x1xi32>
    %ne3A_50 = arith.cmpi ne, %rem3A_47, %ne3A_49 : vector<60x1xi32>
    %and3A_51 = arith.andi %ne3A_45, %ne3A_50 : vector<60x1xi1>
    %sub3A_52 = arith.constant 1 : i32
    %sub3A_53 = vector.broadcast %sub3A_52 : i32 to vector<60x1xi32>
    %sub3A_54 = arith.subi %div3A_27, %sub3A_53 : vector<60x1xi32>
    %select_n3A_55 = arith.select %and3A_51, %sub3A_54, %div3A_27 : vector<60x1xi1>, vector<60x1xi32>
    %jit3A_56 = arith.constant 6 : i32
    %eq3A_57 = arith.constant 0 : i32
    %eq3A_58 = arith.cmpi eq, %jit3A_56, %eq3A_57 : i32
    %jit3A_59 = arith.constant 1 : i32
    %select_n3A_60 = arith.select %eq3A_58, %jit3A_59, %jit3A_56 : i32
    %rem3A_61 = vector.broadcast %select_n3A_60 : i32 to vector<60x1xi32>
    %rem3A_62 = arith.remsi %select_n3A_55, %rem3A_61 : vector<60x1xi32>
    %ne3A_63 = arith.constant 0 : i32
    %ne3A_64 = vector.broadcast %ne3A_63 : i32 to vector<60x1xi32>
    %ne3A_65 = arith.cmpi ne, %rem3A_62, %ne3A_64 : vector<60x1xi32>
    %lt3A = arith.constant 0 : i32
    %lt3A_66 = vector.broadcast %lt3A : i32 to vector<60x1xi32>
    %lt3A_67 = arith.cmpi slt, %rem3A_62, %lt3A_66 : vector<60x1xi32>
    %lt3A_68 = arith.constant 0 : i32
    %lt3A_69 = arith.cmpi slt, %select_n3A_60, %lt3A_68 : i32
    %ne3A_70 = vector.broadcast %lt3A_69 : i1 to vector<60x1xi1>
    %ne3A_71 = vector.broadcast %ne3A_70 : vector<60x1xi1> to vector<60x1xi1>
    %ne3A_72 = arith.xori %lt3A_67, %ne3A_71 : vector<60x1xi1>
    %and3A_73 = arith.andi %ne3A_72, %ne3A_65 : vector<60x1xi1>
    %add3A = vector.broadcast %select_n3A_60 : i32 to vector<60x1xi32>
    %add3A_74 = arith.addi %rem3A_62, %add3A : vector<60x1xi32>
    %select_n3A_75 = arith.select %and3A_73, %add3A_74, %rem3A_62 : vector<60x1xi1>, vector<60x1xi32>
    %iota3A_76 = tpu.iota {dimensions = array<i32: 1>} : vector<60x6xi32>
    %eq3A_77 = vector.broadcast %select_n3A_75 : vector<60x1xi32> to vector<60x6xi32>
    %eq3A_78 = arith.cmpi eq, %eq3A_77, %iota3A_76 : vector<60x6xi32>
    %jit3A_79 = arith.constant 2 : i32
    %eq3A_80 = arith.constant 0 : i32
    %eq3A_81 = arith.cmpi eq, %jit3A_79, %eq3A_80 : i32
    %jit3A_82 = arith.constant 1 : i32
    %select_n3A_83 = arith.select %eq3A_81, %jit3A_82, %jit3A_79 : i32
    %rem3A_84 = vector.broadcast %select_n3A_83 : i32 to vector<60x1xi32>
    %rem3A_85 = arith.remsi %iota3A, %rem3A_84 : vector<60x1xi32>
    %ne3A_86 = arith.constant 0 : i32
    %ne3A_87 = vector.broadcast %ne3A_86 : i32 to vector<60x1xi32>
    %ne3A_88 = arith.cmpi ne, %rem3A_85, %ne3A_87 : vector<60x1xi32>
    %lt3A_89 = arith.constant 0 : i32
    %lt3A_90 = vector.broadcast %lt3A_89 : i32 to vector<60x1xi32>
    %lt3A_91 = arith.cmpi slt, %rem3A_85, %lt3A_90 : vector<60x1xi32>
    %lt3A_92 = arith.constant 0 : i32
    %lt3A_93 = arith.cmpi slt, %select_n3A_83, %lt3A_92 : i32
    %ne3A_94 = vector.broadcast %lt3A_93 : i1 to vector<60x1xi1>
    %ne3A_95 = vector.broadcast %ne3A_94 : vector<60x1xi1> to vector<60x1xi1>
    %ne3A_96 = arith.xori %lt3A_91, %ne3A_95 : vector<60x1xi1>
    %and3A_97 = arith.andi %ne3A_96, %ne3A_88 : vector<60x1xi1>
    %add3A_98 = vector.broadcast %select_n3A_83 : i32 to vector<60x1xi32>
    %add3A_99 = arith.addi %rem3A_85, %add3A_98 : vector<60x1xi32>
    %select_n3A_100 = arith.select %and3A_97, %add3A_99, %rem3A_85 : vector<60x1xi1>, vector<60x1xi32>
    %iota3A_101 = tpu.iota {dimensions = array<i32: 1>} : vector<60x2xi32>
    %eq3A_102 = vector.broadcast %select_n3A_100 : vector<60x1xi32> to vector<60x2xi32>
    %eq3A_103 = arith.cmpi eq, %eq3A_102, %iota3A_101 : vector<60x2xi32>
    %convert_element_type3A = arith.extui %eq3A_24 : vector<60x5xi1> to vector<60x5xi32>
    %convert_element_type3A_104 = arith.sitofp %convert_element_type3A : vector<60x5xi32> to vector<60x5xf32>
    %get3A = arith.constant 0 : index
    %get3A_105 = arith.constant 0 : index
    %get3A_106 = vector.load %arg0[%get3A, %get3A_105] : memref<5x128xf32, #tpu.memory_space<vmem>>, vector<5x128xf32>
    %dot_general3A = arith.constant dense<0.000000e+00> : vector<60x128xf32>
    %dot_general3A_107 = tpu.matmul %convert_element_type3A_104, %get3A_106, %dot_general3A {dimension_numbers = #tpu.dot_dimension_numbers<[1], [0], [0], [1], [0, 0, 1, 1], [], []>, precision = #tpu.contract_precision<fp32>, transpose_lhs_hint = false} : vector<60x5xf32>, vector<5x128xf32>, vector<60x128xf32> -> vector<60x128xf32>
    %convert_element_type3A_108 = arith.extui %eq3A_78 : vector<60x6xi1> to vector<60x6xi32>
    %convert_element_type3A_109 = arith.sitofp %convert_element_type3A_108 : vector<60x6xi32> to vector<60x6xf32>
    %get3A_110 = arith.constant 0 : index
    %get3A_111 = arith.constant 0 : index
    %get3A_112 = vector.load %arg1[%get3A_110, %get3A_111] : memref<6x128xf32, #tpu.memory_space<vmem>>, vector<6x128xf32>
    %dot_general3A_113 = arith.constant dense<0.000000e+00> : vector<60x128xf32>
    %dot_general3A_114 = tpu.matmul %convert_element_type3A_109, %get3A_112, %dot_general3A_113 {dimension_numbers = #tpu.dot_dimension_numbers<[1], [0], [0], [1], [0, 0, 1, 1], [], []>, precision = #tpu.contract_precision<fp32>, transpose_lhs_hint = false} : vector<60x6xf32>, vector<6x128xf32>, vector<60x128xf32> -> vector<60x128xf32>
    %add3A_115 = arith.addf %dot_general3A_107, %dot_general3A_114 : vector<60x128xf32>
    %convert_element_type3A_116 = arith.extui %eq3A_103 : vector<60x2xi1> to vector<60x2xi32>
    %convert_element_type3A_117 = arith.sitofp %convert_element_type3A_116 : vector<60x2xi32> to vector<60x2xf32>
    %get3A_118 = arith.constant 0 : index
    %get3A_119 = arith.constant 0 : index
    %get3A_120 = vector.load %arg2[%get3A_118, %get3A_119] : memref<2x128xf32, #tpu.memory_space<vmem>>, vector<2x128xf32>
    %dot_general3A_121 = arith.constant dense<0.000000e+00> : vector<60x128xf32>
    %dot_general3A_122 = tpu.matmul %convert_element_type3A_117, %get3A_120, %dot_general3A_121 {dimension_numbers = #tpu.dot_dimension_numbers<[1], [0], [0], [1], [0, 0, 1, 1], [], []>, precision = #tpu.contract_precision<fp32>, transpose_lhs_hint = false} : vector<60x2xf32>, vector<2x128xf32>, vector<60x128xf32> -> vector<60x128xf32>
    %add3A_123 = arith.addf %add3A_115, %dot_general3A_122 : vector<60x128xf32>
    %swap3A = arith.constant 0 : index
    %swap3A_124 = arith.constant 0 : index
    %swap3A_125 = vector.load %arg3[%swap3A, %swap3A_124] : memref<60x128xf32, #tpu.memory_space<vmem>>, vector<60x128xf32>
    tpu.vector_store %arg3[%swap3A, %swap3A_124], %add3A_123 {strides = array<i32>} : memref<60x128xf32, #tpu.memory_space<vmem>>, vector<60x128xf32>,
    return
  }
}

</mosaic_0001>

<sc_bundles>
// kernel: kernel.4.cloned.1.call-start
scs
__scs_entry_jumppad:
0x0: {  	(pc) =	sbr.rel $0x88, $3  }
0x1: {  	(tag) =	ssettag $0x0;
	lr =	simm.s32 $0x1  }
0x2: {  	[smem:$0x3F9D] =	sst lr;
	_ =	strace $0xD0000000  }
0x3: {  	_ = 	snop  }
0x4: {  	_ = 	snop  }
0x5: {  	_ = 	snop  }
0x6: {  	_ = 	snop  }
0x7: {  	_ = 	snop  }
__scs_overlays_trampoline_lowered:
0x8: {  	[smem:$0x3FAC] =	sst s0  }
0x9: {  	[smem:$0x3FAD] =	sst s1  }
0xa: {  	[smem:$0x3FAE] =	sst s2  }
0xb: {  	[smem:$0x3FAF] =	sst s3  }
0xc: {  	[smem:$0x3FB0] =	sst s4  }
0xd: {  	[smem:$0x3FB1] =	sst s5  }
0xe: {  	[smem:$0x3FB2] =	sst s6  }
0xf: {  	[smem:$0x3FB3] =	sst s7  }
0x10: {  	[smem:$0x3FB4] =	sst s8  }
0x11: {  	[smem:$0x3FB5] =	sst s9;
	s0 =	simm.s32 @!p0 $0x0  }
0x12: {  	s1 =	sld [smem:$0x3F9B];
	s0 =	simm.s32 @p0 $0x1  }
0x13: {  	[smem:$0x3FB6] =	sst s0;
	s0 =	simm.s32 @!p1 $0x0  }
0x14: {  	s2 =	sld [smem:$0x3F9A];
	s0 =	simm.s32 @p1 $0x1  }
0x15: {  	[smem:$0x3FB7] =	sst s0;
	s0 =	simm.s32 @!p2 $0x0  }
0x16: {  	s3 =	sld [smem:$0x3FDB];
	s0 =	simm.s32 @p2 $0x1  }
0x17: {  	s4 =	simm.s32 $0x1BF5;
	[smem:$0x3FB9] =	sst s0  }
0x18: {  	s0 =	sld [smem:$0x3F9C];
	_ =	swait.ge [sflag:s4], $0x0  }
0x19: {  	s7 =	sld [smem:$0x3F9D]  }
0x1a: {  	s8 =	sadd.s32 $0xFFFFE003, lr  }
0x1b: {  	s9 =	sadd.s32 $0xFFFFFEF7, lr;
	s5 =	simm.s32 $0xFFFFFFFF;
	p2 =	slt.u32 s8, $0xFFFFF086  }
0x1c: {  	p1 =	slt.u32 s9, $0xF7A;
	s5 =	simm.s32 @!p2 $0x0  }
0x1d: {  	s5 =	simm.s32 @p1 $0x1;
	p0 =	seq.s32 s7, s2  }
0x1e: {  	s7 =	smul.u32 @!p0 $0xF7A, s2;
	p2 =	seq.s32 @!p0 s5, $0x0  }
0x1f: {  	s9 =	smul.u32 $0xF7A, s1;
	s8 =	simm.s32 @!p0 $0x1BF5;
	p2 =	por !p2, p0  }
0x20: {  	[sflag:s8] =	ssyncset.s32 @!p0 $0xFFFFF086;
	s6 =	sadd.s32 @!p0 s3, s7;
	s7 =	simm.s32 @!p0 $0x108  }
0x21: {  	s3 =	sadd.s32 s3, s9;
	s6 =	sadd.s32 @!p0 $0x88, s6;
	s7 =	simm.s32 @p2 $0x1082  }
0x22: {  	[simem:s7], [sflag:s8] =	dma.local @!p0 [hbm:s6], $0xF7A  }
0x23: {  	s9 =	sor.u32 $0xD0000000, s2;
	s6 =	simm.s32 $0x108;
	_ =	swait.ge @!p0 [sflag:s8], $0x0  }
0x24: {  	s3 =	sadd.s32 $0x88, s3;
	s6 =	simm.s32 @!p1 $0x1082;
	[sflag:s4] =	ssyncset.s32 $0xFFFFF086  }
0x25: {  	[simem:s6], [sflag:s4] =	dma.local [hbm:s3], $0xF7A  }
0x26: {  	[smem:$0x3F9D] =	sst s1;
	(tag) =	ssettag s2;
	_ =	strace s9  }
0x27: {  	s1 =	sld [smem:$0x3FAD]  }
0x28: {  	s2 =	sld [smem:$0x3FAE]  }
0x29: {  	s4 =	sld [smem:$0x3FB0]  }
0x2a: {  	p0 =	seq.s32 s5, $0x0;
	s5 =	sld [smem:$0x3FB1]  }
0x2b: {  	s6 =	sld [smem:$0x3FB2]  }
0x2c: {  	s7 =	sld [smem:$0x3FB3]  }
0x2d: {  	s3 =	simm.s32 $0x108;
	s8 =	sld [smem:$0x3FB4]  }
0x2e: {  	s3 =	simm.s32 @!p0 $0x1082;
	s9 =	sld [smem:$0x3FB5]  }
0x2f: {  	lr =	sadd.s32 s0, s3;
	s0 =	sld [smem:$0x3FAC]  }
0x30: {  	s3 =	sld [smem:$0x3FAF]  }
0x31: {  	[smem:$0x3FB8] =	sst s10  }
0x32: {  	s10 =	sld [smem:$0x3FB6];
	_ =	sdelay $0x3  }
0x33: {  	p0 =	seq.s32 s10, $0x1;
	s10 =	sld [smem:$0x3FB8];
	_ =	sdelay $0x3  }
0x34: {  	[smem:$0x3FB8] =	sst s10  }
0x35: {  	s10 =	sld [smem:$0x3FB7];
	_ =	sdelay $0x3  }
0x36: {  	p1 =	seq.s32 s10, $0x1;
	s10 =	sld [smem:$0x3FB8];
	_ =	sdelay $0x3  }
0x37: {  	[smem:$0x3FB8] =	sst s10  }
0x38: {  	s10 =	sld [smem:$0x3FB9]  }
0x39: {  	_ = 	snop;
	(pc) =	sbr.ind lr, $3  }
0x3a: {  	_ = 	snop  }
0x3b: {  	_ = 	snop  }
0x3c: {  	p2 =	seq.s32 s10, $0x1;
	s10 =	sld [smem:$0x3FB8]  }
0x3d: {  	_ =	shalt  }
0x3e: {  	_ =	shalt  }
0x3f: {  	_ =	shalt  }
0x40: {  	_ =	shalt  }
0x41: {  	_ =	shalt  }
0x42: {  	_ =	shalt  }
0x43: {  	_ =	shalt  }
0x44: {  	_ =	shalt  }
0x45: {  	_ =	shalt  }
0x46: {  	_ =	shalt  }
0x47: {  	_ =	shalt  }
0x48: {  	_ =	shalt  }
0x49: {  	_ =	shalt  }
0x4a: {  	_ =	shalt  }
0x4b: {  	_ =	shalt  }
0x4c: {  	_ =	shalt  }
0x4d: {  	_ =	shalt  }
0x4e: {  	_ =	shalt  }
0x4f: {  	_ =	shalt  }
0x50: {  	_ =	shalt  }
0x51: {  	_ =	shalt  }
0x52: {  	_ =	shalt  }
0x53: {  	_ =	shalt  }
0x54: {  	_ =	shalt  }
0x55: {  	_ =	shalt  }
0x56: {  	_ =	shalt  }
0x57: {  	_ =	shalt  }
0x58: {  	_ =	shalt  }
0x59: {  	_ =	shalt  }
0x5a: {  	_ =	shalt  }
0x5b: {  	_ =	shalt  }
0x5c: {  	_ =	shalt  }
0x5d: {  	_ =	shalt  }
0x5e: {  	_ =	shalt  }
0x5f: {  	_ =	shalt  }
0x60: {  	_ =	shalt  }
0x61: {  	_ =	shalt  }
0x62: {  	_ =	shalt  }
0x63: {  	_ =	shalt  }
0x64: {  	_ =	shalt  }
0x65: {  	_ =	shalt  }
0x66: {  	_ =	shalt  }
0x67: {  	_ =	shalt  }
0x68: {  	_ =	shalt  }
0x69: {  	_ =	shalt  }
0x6a: {  	_ =	shalt  }
0x6b: {  	_ =	shalt  }
0x6c: {  	_ =	shalt  }
0x6d: {  	_ =	shalt  }
0x6e: {  	_ =	shalt  }
0x6f: {  	_ =	shalt  }
0x70: {  	_ =	shalt  }
0x71: {  	_ =	shalt  }
0x72: {  	_ =	shalt  }
0x73: {  	_ =	shalt  }
0x74: {  	_ =	shalt  }
0x75: {  	_ =	shalt  }
0x76: {  	_ =	shalt  }
0x77: {  	_ =	shalt  }
0x78: {  	_ =	shalt  }
0x79: {  	_ =	shalt  }
0x7a: {  	_ =	shalt  }
0x7b: {  	_ =	shalt  }
0x7c: {  	_ =	shalt  }
0x7d: {  	_ =	shalt  }
0x7e: {  	_ =	shalt  }
0x7f: {  	_ =	shalt  }
0x80: {  	_ =	shalt  }
0x81: {  	_ =	shalt  }
0x82: {  	_ =	shalt  }
0x83: {  	_ =	shalt  }
0x84: {  	_ =	shalt  }
0x85: {  	_ =	shalt  }
0x86: {  	_ =	shalt  }
0x87: {  	_ =	shalt  }
.Lfunc_end0:
.L_simem_size_0:
called_computation_lowered:
.L_overlay_start_0:
0x88: {  	s2 =	sld [smem:$0x3FD9]  }
0x89: {  	s3 =	sld [smem:$0x3FFE];
	_ =	sdelay $0x1  }
0x8a: {  	s1 =	srdreg.scid  }
0x8b: {  	s0 =	sand.u32 $0x1, s1  }
0x8c: {  	s17 =	sshll.u32 s0, $0xA;
	s2 =	sadd.s32 s3, s2  }
0x8d: {  	s2 =	sadd.s32 s2, s17  }
0x8e: {  	[smem:$0x3FC4] =	sst s2  }
0x8f: {  	_ = 	snop  }
0x90: {  	s2 =	sld [smem:$0x3FD0];
	(tm) =	ssettm $0x1  }
0x91: {  	s18 =	sld [smem:$0x3FFB];
	_ =	sdelay $0x3  }
0x92: {  	_ =	strace s18  }
0x93: {  	s3 =	sld [smem:$0x3FFC];
	_ =	sdelay $0x3  }
0x94: {  	_ =	strace s3  }
0x95: {  	s3 =	sld [smem:$0x3FFD];
	_ =	sdelay $0x3  }
0x96: {  	_ =	strace s3  }
0x97: {  	_ =	strace $0x8FFFFFFF  }
0x98: {  	s19 =	sld [smem:$0x3FDB];
	_ =	sdelay $0x1  }
0x99: {  	s4 =	simm.s32 $_scs_section_size  }
0x9a: {  	s5 =	simm.s32 $_size__tile_overlayer_lowered;
	s6 =	simm.s32 $_tile_overlayer_lowered  }
0x9b: {  	s22 =	simm.s32 $0x1BFF;
	s21 =	sshll.u32 s6, $0x1;
	s3 =	sadd.s32 s4, s19  }
0x9c: {  	s7 =	simm.s32 $0x0;
	s20 =	sshll.u32 s5, $0x1;
	s5 =	sadd.s32 s21, s3  }
0x9d: {  	[timem:s7], [sflag:s22] =	dma.local [hbm:s5], s20  }
0x9e: {  	_ =	swait.ge [sflag:s22], s20  }
0x9f: {  	s4 =	ssub.s32 $0x0, s20;
	[sflag:s22] =	ssyncset.done $0x0  }
0xa0: {  	[sflag:s22] =	ssyncadd.s32 s4;
	_ =	sdelay $0x1  }
0xa1: {  	s23 =	simm.s32 $0x1B8B  }
0xa2: {  	_ =	swait.ge [sflag:s23], $0x1  }
0xa3: {  	[sflag:s23] =	ssyncset.done $0x0  }
0xa4: {  	s25 =	simm.s32 $0x1B8E;
	s24 =	sld [smem:$0x3FFE];
	[sflag:s23] =	ssyncadd.s32 $0xFFFFFFFF  }
0xa5: {  	s26 =	simm.s32 $execute0_lowered;
	[smem:$0x3FD2] =	sst s25  }
0xa6: {  	s5 =	sshll.u32 s26, $0x1;
	_ =	strace $0x80000046;
	[dreg:$0x1] =	wrdreg $0xFFFFFFFF  }
0xa7: {  	s28 =	simm.s32 $_size_execute0_lowered;
	s3 =	sadd.s32 s3, s5;
	[dreg:$0x0] =	wrdreg $0x0  }
0xa8: {  	s5 =	sshll.u32 s28, $0x1;
	[dreg:$0x2] =	wrdreg s3  }
0xa9: {  	[dreg:$0x3] =	wrdreg s5  }
0xaa: {  	[dreg:$0x4] =	wrdreg $0xC0  }
0xab: {  	_ =	task [dreg:s7], $0x5FFFF  }
0xac: {  	[dreg:$0x1] =	wrdreg $0xFFFFFFFF  }
0xad: {  	[dreg:$0x0] =	wrdreg $0x60  }
0xae: {  	[dreg:$0x2] =	wrdreg s24  }
0xaf: {  	[dreg:$0x3] =	wrdreg s2  }
0xb0: {  	[dreg:$0x4] =	wrdreg $0x0  }
0xb1: {  	[dreg:$0x5] =	wrdreg $0x9  }
0xb2: {  	_ =	task.clear_ibuf [dreg:s7], $0x6FFFF;
	_ =	strace $0x90000046  }
0xb3: {  	s29 =	simm.s32 $0x9;
	_ =	strace $0x80000048  }
0xb4: {  	_ =	swait.ge [sflag:s29], $0x1  }
0xb5: {  	[sflag:s29] =	ssyncadd.s32 $0xFFFFFFFF  }
0xb6: {  	_ =	strace $0x90000048  }
0xb7: {  	_ =	sfence  }
0xb8: {  	s30 =	sld [smem:$0x0];
	_ =	sdelay $0x2  }
0xb9: {  	s31 =	sshll.u32 s1, $0xD;
	s1 =	sshrl.u32 s1, $0x2  }
0xba: {  	s3 =	sand.u32 $0x4000, s31;
	s1 =	sadd.s32 s1, s30  }
0xbb: {  	s0 =	sor.u32 s3, s0;
	s1 =	sshll.u32 s1, $0x11  }
0xbc: {  	s0 =	sor.u32 s1, s0  }
0xbd: {  	s0 =	sadd.s32 $0x8F2B, s0  }
0xbe: {  	[sflag:s0] =	ssyncadd.remote.s32 $0x1  }
0xbf: {  	_ =	sfence.sel $0xFFFF  }
0xc0: {  	[dreg:$0x0] =	wrdreg $0xFFFFFFFF;
	(pc) =	sbr.abs _section_cstart, $3  }
0xc1: {  	[dreg:$0x1] =	wrdreg $0xFFFFFFFF  }
0xc2: {  	_ =	task.clear_ibuf [dreg:s7], $0x2FFFF;
	_ =	strace $0x9FFFFFFF  }
0xc3: {  	(tm) =	ssettm $0x7FFFFFFF  }
tec
execute0_lowered:
.L_overlay_start_1:
0x0: {  	(tag) =	ssettag $0x1  }
0x1: {  	s0 =	rddreg [dreg:$0x0]  }
0x2: {  	s3 =	rddreg [dreg:$0x1];
	s2 =	srdreg.scid  }
0x3: {  	s4 =	stileid.u32;
	s1 =	rddreg [dreg:$0x2]  }
0x4: {  	s18 =	simm.s32 $0x1E0;
	s29 =	simm.s32 $0xDC60;
	s31 =	simm.s32 $0x11C60  }
0x5: {  	s5 =	sand.u32 $0x1, s2;
	s6 =	sshll.u32 s4, $0x1;
	s25 =	smul.u32 $0x4E200, s4  }
0x6: {  	s6 =	sor.u32 s5, s6;
	s8 =	ssub.s32 $0x2, s5;
	s5 =	smul.u32 $0x27100, s5  }
0x7: {  	s28 =	simm.s32 $0x18060;
	s30 =	simm.s32 $0x2;
	s7 =	smul.u32 $0x2710, s6  }
0x8: {  	s2 =	simm.s32 $0x0;
	p0 =	sne.s32 s4, $0x0;
	s9 =	smul.u32 $0x138800, s6  }
0x9: {  	s4 =	simm.s32 $0x6;
	[smem:$0x7FF] =	sst s2;
	s6 =	smul.u32 $0x27100, s6  }
0xa: {  	s17 =	sshrl.u32 @!p0 s1, $0x3;
	_ =	strace $0x80000047;
	s19 =	sshrl.u32 s8, $0x1  }
0xb: {  	s7 =	sshrl.u32 s7, $0x3;
	s20 =	sshrl.u32 s9, $0x3;
	s6 =	sadd.s32 s3, s6  }
0xc: {  	s7 =	sadd.s32 s7, s0;
	s0 =	sadd.s32 $0x1E200, s0;
	[dreg:$0x8] =	wrdreg s6  }
0xd: {  	[dreg:$0x4] =	wrdreg s0;
	s0 =	ssub.s32 s8, s19;
	s21 =	sadd.s32 $0xC00, s7  }
0xe: {  	s22 =	sadd.s32 $0xA840, s7;
	s8 =	sadd.s32 s3, s20;
	s7 =	sadd.s32 $0x14480, s7  }
0xf: {  	s3 =	sadd.s32 s25, s3;
	s19 =	simm.s32 $0x7;
	[dreg:$0x5] =	wrdreg s21  }
0x10: {  	s20 =	simm.s32 $0x4;
	s25 =	simm.s32 $0x3;
	[dreg:$0x6] =	wrdreg s22  }
0x11: {  	[dreg:$0x7] =	wrdreg s7;
	s23 =	sadd.s32 $0xC80, s8;
	s24 =	sadd.s32 $0x1900, s8  }
0x12: {  	s10 =	sadd.s32 $0x23280, s8;
	s11 =	sadd.s32 $0x23F00, s8;
	s12 =	sadd.s32 $0x24B80, s8  }
0x13: {  	s13 =	sadd.s32 $0x25800, s8;
	s14 =	sadd.s32 $0x26480, s8;
	s15 =	smax.u32 s0, $0x1  }
0x14: {  	s26 =	sadd.s32 s5, s3;
	s22 =	simm.s32 $0x80;
	s0 =	simm.s32 $0x1  }
0x15: {  	s21 =	simm.s32 $0x14060;
	s3 =	simm.s32 $0x5;
	[dreg:$0x9] =	wrdreg s23  }
0x16: {  	s5 =	simm.s32 $0x0;
	[dreg:$0xa] =	wrdreg s24;
	s16 =	sadd.s32 $0x2580, s26  }
0x17: {  	s23 =	simm.s32 $0x7860;
	s24 =	simm.s32 $0x48;
	s26 =	simm.s32 $0xB860  }
.LBB2_1:
0x18: {  	s6 =	simm.s32 @!p0 $0x1C07;
	s7 =	rddreg [dreg:$0x4]  }
0x19: {  	[spmem:s17], [sflag:s6] =	dma.local @!p0 [hbm:s7], $0x3C0  }
0x1a: {  	s6 =	simm.s32 @!p0 $0x7  }
0x1b: {  	_ =	swait.ge @!p0 [sflag:s6], $0x3C0  }
0x1c: {  	[sflag:s6] =	ssyncset.done @!p0 $0x0  }
0x1d: {  	s7 =	rddreg [dreg:$0x5];
	[sflag:s6] =	ssyncadd.s32 @!p0 $0xFFFFFC40  }
0x1e: {  	[tilespmem:s18], [sflag:$0x7] =	stream.linear.gather [hbm4b:s7+s2], $0x2710, $0x38;
	[tilespmem:$0x1A460] =	vst v63  }
0x1f: {  	_ =	swait.ge [sflag:s19], $0x2710  }
0x20: {  	[sflag:s19] =	ssyncset.done $0x0  }
0x21: {  	s9 =	simm.s32 $0x2960;
	s8 =	rddreg [dreg:$0x6];
	[sflag:s19] =	ssyncadd.s32 $0xFFFFD8F0  }
0x22: {  	[tilespmem:s9], [sflag:$0x7] =	stream.linear.gather [hbm4b:s8+s2], $0x2710, $0x38;
	[tilespmem:$0x1A460] =	vst v63  }
0x23: {  	_ =	swait.ge [sflag:s19], $0x2710  }
0x24: {  	[sflag:s19] =	ssyncset.done $0x0  }
0x25: {  	s9 =	simm.s32 $0x50E0;
	s8 =	rddreg [dreg:$0x7];
	[sflag:s19] =	ssyncadd.s32 $0xFFFFD8F0  }
0x26: {  	[tilespmem:s9], [sflag:$0x7] =	stream.linear.gather [hbm4b:s8+s2], $0x2710, $0x38;
	[tilespmem:$0x1A460] =	vst v63  }
0x27: {  	_ =	swait.ge [sflag:s19], $0x2710  }
0x28: {  	[sflag:s19] =	ssyncset.done $0x0  }
0x29: {  	s6 =	simm.s32 $0x0;
	s7 =	simm.s32 $0x40;
	[sflag:s19] =	ssyncadd.s32 $0xFFFFD8F0  }
.LBB2_2:
0x2a: {  	p1 =	sne.s32 s7, $0x9C00;
	v0 =	vld [tilespmem:s6+$0x1E0]  }
0x2b: {  	v1 =	vld [tilespmem:s6+$0x2960];
	_ =	sdelay $0x1  }
0x2c: {  	v2 =	vld [tilespmem:s6+$0x50E0];
	_ =	sdelay $0x1  }
.Ltmp0:
0x2d: {  	v0 =	vmul.u32 $0xC, v0;
	(pc) =	sbr.rel @p1 .LBB2_2-.Ltmp0, $4  }
0x2e: {  	v1 =	vshll.u32 v1, $0x1  }
0x2f: {  	v0 =	vadd.s32 v0, v1  }
0x30: {  	v0 =	vadd.s32 v2, v0  }
0x31: {  	[tilespmem:s6+$0x1E0] =	vst v0;
	s6 =	sshra.s32 s7, $0x2;
	s7 =	sadd.s32 $0x40, s7  }
0x32: {  	v0 =	vld [tilespmem:s6+$0x1E0]  }
0x33: {  	v1 =	vld [tilespmem:s6+$0x2960];
	_ =	sdelay $0x1  }
0x34: {  	v2 =	vld [tilespmem:s6+$0x50E0];
	_ =	sdelay $0x1  }
0x35: {  	v0 =	vmul.u32 $0xC, v0  }
0x36: {  	v1 =	vshll.u32 v1, $0x1  }
0x37: {  	v0 =	vadd.s32 v0, v1  }
0x38: {  	v0 =	vadd.s32 v2, v0  }
0x39: {  	[tilespmem:s6+$0x1E0] =	vst v0  }
0x3a: {  	[bflag:$0x0] =	sbarrier.arrive $0xFFFF  }
0x3b: {  	[tilespmem:s23], [sflag:$0x1] =	stream.indirect.gather [spmem:s1], $0x80, s18, s22, $0xb8;
	[tilespmem:$0x1A460] =	vst v63  }
0x3c: {  	s8 =	simm.s32 $0x260  }
0x3d: {  	[tilespmem:s26], [sflag:$0x1] =	stream.indirect.gather [spmem:s1], $0x80, s8, s24, $0xb8;
	[tilespmem:$0x1A460] =	vst v63  }
0x3e: {  	s9 =	simm.s32 $0x2A8  }
0x3f: {  	[tilespmem:s29], [sflag:$0x2] =	stream.indirect.gather [spmem:s1], $0x80, s9, s22, $0xb8;
	[tilespmem:$0x1A460] =	vst v63  }
0x40: {  	s7 =	simm.s32 $0x328  }
0x41: {  	[tilespmem:s31], [sflag:$0x2] =	stream.indirect.gather [spmem:s1], $0x80, s7, s24, $0xb8;
	[tilespmem:$0x1A460] =	vst v63  }
0x42: {  	_ =	swait.ge [sflag:s0], $0x6400  }
0x43: {  	[sflag:s0] =	ssyncset.done $0x0  }
0x44: {  	s6 =	simm.s32 $0x0;
	s7 =	rddreg [dreg:$0x8];
	[sflag:s0] =	ssyncadd.s32 $0xFFFF9C00  }
0x45: {  	[hbm4b:s7+s6] =	stream.linear.scatter [tilespmem:s23], [sflag:$0x4], $0x6400, $0x38;
	[tilespmem:$0x1A460] =	vst v63  }
0x46: {  	s8 =	simm.s32 $0x370  }
0x47: {  	[tilespmem:s21], [sflag:$0x3] =	stream.indirect.gather [spmem:s1], $0x80, s8, s22, $0xb8;
	[tilespmem:$0x1A460] =	vst v63  }
0x48: {  	s9 =	simm.s32 $0x3F0  }
0x49: {  	[tilespmem:s28], [sflag:$0x3] =	stream.indirect.gather [spmem:s1], $0x80, s9, s24, $0xb8;
	[tilespmem:$0x1A460] =	vst v63  }
0x4a: {  	_ =	swait.ge [sflag:s30], $0x6400  }
0x4b: {  	[sflag:s30] =	ssyncset.done $0x0  }
0x4c: {  	s8 =	rddreg [dreg:$0x9];
	[sflag:s30] =	ssyncadd.s32 $0xFFFF9C00  }
0x4d: {  	[hbm4b:s8+s6] =	stream.linear.scatter [tilespmem:s29], [sflag:$0x5], $0x6400, $0x38;
	[tilespmem:$0x1A460] =	vst v63  }
0x4e: {  	_ =	swait.ge [sflag:s20], $0x6400  }
0x4f: {  	[sflag:s20] =	ssyncset.done $0x0  }
0x50: {  	s9 =	simm.s32 $0x438;
	[sflag:s20] =	ssyncadd.s32 $0xFFFF9C00  }
0x51: {  	[tilespmem:s23], [sflag:$0x1] =	stream.indirect.gather [spmem:s1], $0x80, s9, s22, $0xb8;
	[tilespmem:$0x1A460] =	vst v63  }
0x52: {  	s8 =	simm.s32 $0x4B8  }
0x53: {  	[tilespmem:s26], [sflag:$0x1] =	stream.indirect.gather [spmem:s1], $0x80, s8, s24, $0xb8;
	[tilespmem:$0x1A460] =	vst v63  }
0x54: {  	_ =	swait.ge [sflag:s25], $0x6400  }
0x55: {  	[sflag:s25] =	ssyncset.done $0x0  }
0x56: {  	s9 =	rddreg [dreg:$0xa];
	[sflag:s25] =	ssyncadd.s32 $0xFFFF9C00  }
0x57: {  	[hbm4b:s9+s6] =	stream.linear.scatter [tilespmem:s21], [sflag:$0x6], $0x6400, $0x38;
	[tilespmem:$0x1A460] =	vst v63  }
0x58: {  	_ =	swait.ge [sflag:s3], $0x6400  }
0x59: {  	[sflag:s3] =	ssyncset.done $0x0  }
0x5a: {  	s7 =	simm.s32 $0x500;
	[sflag:s3] =	ssyncadd.s32 $0xFFFF9C00  }
0x5b: {  	[tilespmem:s29], [sflag:$0x2] =	stream.indirect.gather [spmem:s1], $0x80, s7, s22, $0xb8;
	[tilespmem:$0x1A460] =	vst v63  }
0x5c: {  	s8 =	simm.s32 $0x580  }
0x5d: {  	[tilespmem:s31], [sflag:$0x2] =	stream.indirect.gather [spmem:s1], $0x80, s8, s24, $0xb8;
	[tilespmem:$0x1A460] =	vst v63  }
0x5e: {  	_ =	swait.ge [sflag:s0], $0x6400  }
0x5f: {  	[sflag:s0] =	ssyncset.done $0x0  }
0x60: {  	[sflag:s0] =	ssyncadd.s32 $0xFFFF9C00  }
0x61: {  	[hbm4b:s16+s2] =	stream.linear.scatter [tilespmem:s23], [sflag:$0x4], $0x6400, $0x38;
	[tilespmem:$0x1A460] =	vst v63  }
0x62: {  	_ =	swait.ge [sflag:s4], $0x6400  }
0x63: {  	[sflag:s4] =	ssyncset.done $0x0  }
0x64: {  	s9 =	simm.s32 $0x5C8;
	[sflag:s4] =	ssyncadd.s32 $0xFFFF9C00  }
0x65: {  	[tilespmem:s21], [sflag:$0x3] =	stream.indirect.gather [spmem:s1], $0x80, s9, s22, $0xb8;
	[tilespmem:$0x1A460] =	vst v63  }
0x66: {  	s7 =	simm.s32 $0x648  }
0x67: {  	[tilespmem:s28], [sflag:$0x3] =	stream.indirect.gather [spmem:s1], $0x80, s7, s24, $0xb8;
	[tilespmem:$0x1A460] =	vst v63  }
0x68: {  	_ =	swait.ge [sflag:s30], $0x6400  }
0x69: {  	[sflag:s30] =	ssyncset.done $0x0  }
0x6a: {  	s8 =	sadd.s32 $0xC80, s16;
	[sflag:s30] =	ssyncadd.s32 $0xFFFF9C00  }
0x6b: {  	[hbm4b:s8+s2] =	stream.linear.scatter [tilespmem:s29], [sflag:$0x5], $0x6400, $0x38;
	[tilespmem:$0x1A460] =	vst v63  }
0x6c: {  	_ =	swait.ge [sflag:s20], $0x6400  }
0x6d: {  	[sflag:s20] =	ssyncset.done $0x0  }
0x6e: {  	s9 =	simm.s32 $0x690;
	[sflag:s20] =	ssyncadd.s32 $0xFFFF9C00  }
0x6f: {  	[tilespmem:s23], [sflag:$0x1] =	stream.indirect.gather [spmem:s1], $0x80, s9, s22, $0xb8;
	[tilespmem:$0x1A460] =	vst v63  }
0x70: {  	s7 =	simm.s32 $0x710  }
0x71: {  	[tilespmem:s26], [sflag:$0x1] =	stream.indirect.gather [spmem:s1], $0x80, s7, s24, $0xb8;
	[tilespmem:$0x1A460] =	vst v63  }
0x72: {  	_ =	swait.ge [sflag:s25], $0x6400  }
0x73: {  	[sflag:s25] =	ssyncset.done $0x0  }
0x74: {  	s8 =	sadd.s32 $0x1900, s16;
	[sflag:s25] =	ssyncadd.s32 $0xFFFF9C00  }
0x75: {  	[hbm4b:s8+s2] =	stream.linear.scatter [tilespmem:s21], [sflag:$0x6], $0x6400, $0x38;
	[tilespmem:$0x1A460] =	vst v63  }
0x76: {  	_ =	swait.ge [sflag:s3], $0x6400  }
0x77: {  	s6 =	simm.s32 $0x960;
	s9 =	simm.s32 $0x758;
	[sflag:s3] =	ssyncset.done $0x0  }
0x78: {  	s7 =	sadd.s32 $0x2580, s16;
	s8 =	simm.s32 $0x7D8;
	[sflag:s3] =	ssyncadd.s32 $0xFFFF9C00  }
0x79: {  	[tilespmem:s29], [sflag:$0x2] =	stream.indirect.gather [spmem:s1], $0x80, s9, s22, $0xb8;
	[tilespmem:$0x1A460] =	vst v63  }
.LBB2_4:
0x7a: {  	[tilespmem:s31], [sflag:$0x2] =	stream.indirect.gather [spmem:s1], $0x80, s8, s24, $0xb8;
	[tilespmem:$0x1A460] =	vst v63  }
0x7b: {  	s8 =	smov.u32 s6  }
0x7c: {  	p1 =	sne.s32 s6, $0x79E0;
	s6 =	sadd.s32 $0x960, s6;
	_ =	swait.ge [sflag:s0], $0x6400  }
0x7d: {  	[sflag:s0] =	ssyncset.done $0x0  }
0x7e: {  	[sflag:s0] =	ssyncadd.s32 $0xFFFF9C00  }
0x7f: {  	[hbm4b:s7+s2] =	stream.linear.scatter [tilespmem:s23], [sflag:$0x4], $0x6400, $0x38;
	[tilespmem:$0x1A460] =	vst v63  }
0x80: {  	_ =	swait.ge [sflag:s4], $0x6400  }
0x81: {  	s8 =	sshra.s32 s8, $0x2;
	[sflag:s4] =	ssyncset.done $0x0  }
0x82: {  	s9 =	sadd.s32 $0x5C8, s8;
	[sflag:s4] =	ssyncadd.s32 $0xFFFF9C00  }
0x83: {  	[tilespmem:s21], [sflag:$0x3] =	stream.indirect.gather [spmem:s1], $0x80, s9, s22, $0xb8;
	[tilespmem:$0x1A460] =	vst v63  }
0x84: {  	s9 =	sadd.s32 $0x648, s8  }
0x85: {  	[tilespmem:s28], [sflag:$0x3] =	stream.indirect.gather [spmem:s1], $0x80, s9, s24, $0xb8;
	[tilespmem:$0x1A460] =	vst v63  }
0x86: {  	_ =	swait.ge [sflag:s30], $0x6400  }
0x87: {  	[sflag:s30] =	ssyncset.done $0x0  }
0x88: {  	s9 =	sadd.s32 $0xC80, s7;
	[sflag:s30] =	ssyncadd.s32 $0xFFFF9C00  }
0x89: {  	[hbm4b:s9+s2] =	stream.linear.scatter [tilespmem:s29], [sflag:$0x5], $0x6400, $0x38;
	[tilespmem:$0x1A460] =	vst v63  }
0x8a: {  	_ =	swait.ge [sflag:s20], $0x6400  }
0x8b: {  	[sflag:s20] =	ssyncset.done $0x0  }
0x8c: {  	s9 =	sadd.s32 $0x690, s8;
	[sflag:s20] =	ssyncadd.s32 $0xFFFF9C00  }
0x8d: {  	[tilespmem:s23], [sflag:$0x1] =	stream.indirect.gather [spmem:s1], $0x80, s9, s22, $0xb8;
	[tilespmem:$0x1A460] =	vst v63  }
0x8e: {  	s9 =	sadd.s32 $0x710, s8  }
0x8f: {  	[tilespmem:s26], [sflag:$0x1] =	stream.indirect.gather [spmem:s1], $0x80, s9, s24, $0xb8;
	[tilespmem:$0x1A460] =	vst v63  }
0x90: {  	_ =	swait.ge [sflag:s25], $0x6400  }
0x91: {  	[sflag:s25] =	ssyncset.done $0x0  }
0x92: {  	s9 =	sadd.s32 $0x1900, s7;
	[sflag:s25] =	ssyncadd.s32 $0xFFFF9C00  }
0x93: {  	[hbm4b:s9+s2] =	stream.linear.scatter [tilespmem:s21], [sflag:$0x6], $0x6400, $0x38;
	[tilespmem:$0x1A460] =	vst v63  }
.Ltmp1:
0x94: {  	_ =	swait.ge [sflag:s3], $0x6400;
	(pc) =	sbr.rel @p1 .LBB2_4-.Ltmp1, $4  }
0x95: {  	[sflag:s3] =	ssyncset.done $0x0  }
0x96: {  	s9 =	sadd.s32 $0x758, s8;
	[sflag:s3] =	ssyncadd.s32 $0xFFFF9C00  }
0x97: {  	[tilespmem:s29], [sflag:$0x2] =	stream.indirect.gather [spmem:s1], $0x80, s9, s22, $0xb8;
	[tilespmem:$0x1A460] =	vst v63  }
0x98: {  	s7 =	sadd.s32 $0x2580, s7;
	s8 =	sadd.s32 $0x7D8, s8  }
0x99: {  	[tilespmem:s31], [sflag:$0x2] =	stream.indirect.gather [spmem:s1], $0x80, s8, s24, $0xb8;
	[tilespmem:$0x1A460] =	vst v63  }
0x9a: {  	_ =	swait.ge [sflag:s0], $0x6400  }
0x9b: {  	[sflag:s0] =	ssyncset.done $0x0  }
0x9c: {  	[sflag:s0] =	ssyncadd.s32 $0xFFFF9C00  }
0x9d: {  	[hbm4b:s10+s2] =	stream.linear.scatter [tilespmem:s23], [sflag:$0x4], $0x6400, $0x38;
	[tilespmem:$0x1A460] =	vst v63  }
0x9e: {  	_ =	swait.ge [sflag:s4], $0x6400  }
0x9f: {  	[sflag:s4] =	ssyncset.done $0x0  }
0xa0: {  	s6 =	simm.s32 $0x2698;
	[sflag:s4] =	ssyncadd.s32 $0xFFFF9C00  }
0xa1: {  	[tilespmem:s21], [sflag:$0x3] =	stream.indirect.gather [spmem:s1], $0x80, s6, s22, $0xb8;
	[tilespmem:$0x1A460] =	vst v63  }
0xa2: {  	s8 =	simm.s32 $0x2718  }
0xa3: {  	[tilespmem:s28], [sflag:$0x3] =	stream.indirect.gather [spmem:s1], $0x80, s8, s24, $0xb8;
	[tilespmem:$0x1A460] =	vst v63  }
0xa4: {  	_ =	swait.ge [sflag:s30], $0x6400  }
0xa5: {  	[sflag:s30] =	ssyncset.done $0x0  }
0xa6: {  	[sflag:s30] =	ssyncadd.s32 $0xFFFF9C00  }
0xa7: {  	[hbm4b:s11+s2] =	stream.linear.scatter [tilespmem:s29], [sflag:$0x5], $0x6400, $0x38;
	[tilespmem:$0x1A460] =	vst v63  }
0xa8: {  	_ =	swait.ge [sflag:s20], $0x6400  }
0xa9: {  	[sflag:s20] =	ssyncset.done $0x0  }
0xaa: {  	s9 =	simm.s32 $0x2760;
	[sflag:s20] =	ssyncadd.s32 $0xFFFF9C00  }
0xab: {  	[tilespmem:s23], [sflag:$0x1] =	stream.indirect.gather [spmem:s1], $0x80, s9, s22, $0xb8;
	[tilespmem:$0x1A460] =	vst v63  }
0xac: {  	s7 =	simm.s32 $0x27E0  }
0xad: {  	[tilespmem:s26], [sflag:$0x1] =	stream.indirect.gather [spmem:s1], $0x80, s7, s24, $0xb8;
	[tilespmem:$0x1A460] =	vst v63  }
0xae: {  	_ =	swait.ge [sflag:s25], $0x6400  }
0xaf: {  	[sflag:s25] =	ssyncset.done $0x0  }
0xb0: {  	[sflag:s25] =	ssyncadd.s32 $0xFFFF9C00  }
0xb1: {  	[hbm4b:s12+s2] =	stream.linear.scatter [tilespmem:s21], [sflag:$0x6], $0x6400, $0x38;
	[tilespmem:$0x1A460] =	vst v63  }
0xb2: {  	_ =	swait.ge [sflag:s3], $0x6400  }
0xb3: {  	[sflag:s3] =	ssyncset.done $0x0  }
0xb4: {  	s8 =	simm.s32 $0x2828;
	[sflag:s3] =	ssyncadd.s32 $0xFFFF9C00  }
0xb5: {  	[tilespmem:s29], [sflag:$0x2] =	stream.indirect.gather [spmem:s1], $0x80, s8, s22, $0xb8;
	[tilespmem:$0x1A460] =	vst v63  }
0xb6: {  	s9 =	simm.s32 $0x28A8  }
0xb7: {  	[tilespmem:s31], [sflag:$0x2] =	stream.indirect.gather [spmem:s1], $0x80, s9, s24, $0xb8;
	[tilespmem:$0x1A460] =	vst v63  }
0xb8: {  	_ =	swait.ge [sflag:s0], $0x6400  }
0xb9: {  	[sflag:s0] =	ssyncset.done $0x0  }
0xba: {  	[sflag:s0] =	ssyncadd.s32 $0xFFFF9C00  }
0xbb: {  	[hbm4b:s13+s2] =	stream.linear.scatter [tilespmem:s23], [sflag:$0x4], $0x6400, $0x38;
	[tilespmem:$0x1A460] =	vst v63  }
0xbc: {  	_ =	swait.ge [sflag:s30], $0x6400  }
0xbd: {  	[sflag:s30] =	ssyncset.done $0x0  }
0xbe: {  	[sflag:s30] =	ssyncadd.s32 $0xFFFF9C00  }
0xbf: {  	[hbm4b:s14+s2] =	stream.linear.scatter [tilespmem:s29], [sflag:$0x5], $0x6400, $0x38;
	[tilespmem:$0x1A460] =	vst v63  }
0xc0: {  	_ =	swait.ge [sflag:s4], $0x6400  }
0xc1: {  	[sflag:s4] =	ssyncset.done $0x0  }
0xc2: {  	s5 =	sadd.s32 $0x1, s5;
	[sflag:s4] =	ssyncadd.s32 $0xFFFF9C00  }
0xc3: {  	p1 =	sne.s32 s5, s15;
	_ =	swait.ge [sflag:s20], $0x6400  }
.Ltmp2:
0xc4: {  	[sflag:s20] =	ssyncset.done $0x0;
	(pc) =	sbr.rel @p1 .LBB2_1-.Ltmp2, $4  }
0xc5: {  	[sflag:s20] =	ssyncadd.s32 $0xFFFF9C00  }
0xc6: {  	_ =	swait.ge [sflag:s3], $0x6400  }
0xc7: {  	[sflag:s3] =	ssyncset.done $0x0  }
0xc8: {  	[sflag:s3] =	ssyncadd.s32 $0xFFFF9C00  }
0xc9: {  	_ =	sfence.sel $0x180000  }
0xca: {  	[bflag:$0x0] =	sbarrier.arrive $0xFFFF  }
0xcb: {  	_ =	strace $0x90000047  }
0xcc: {  	[bflag:$0x2] =	sbarrier.arrive $0xFFFF  }
0xcd: {  	s0 =	rddreg [dreg:$0x3]  }
0xce: {  	s0 =	sadd.s32 @!p0 $0x100000, s0  }
0xcf: {  	[sflag:s0] =	ssyncadd.tile.s32 @!p0 $0x1;
	_ =	shalt  }
.Lfunc_end2:
_tile_overlayer_lowered:
.L_overlay_start_2:
0xd0: {  	(tag) =	ssettag $0x2  }
0xd1: {  	s0 =	rddreg [dreg:$0x0];
	s2 =	stileid.u32  }
0xd2: {  	s1 =	rddreg [dreg:$0x1];
	p0 =	sne.s32 s2, $0x0  }
0xd3: {  	s3 =	rddreg [dreg:$0x2];
	[bflag:$0x3] =	sbarrier.arrive $0xFFFF;
	s2 =	simm.s32 @!p0 $0x1C07  }
0xd4: {  	[timem:s3], [sflag:s2] =	dma.local @!p0 [hbm:s0], s1  }
0xd5: {  	s0 =	simm.s32 @!p0 $0x7  }
0xd6: {  	_ =	swait.ge @!p0 [sflag:s0], s1  }
0xd7: {  	s1 =	ssub.s32 @!p0 $0x0, s1;
	[sflag:s0] =	ssyncset.done @!p0 $0x0  }
0xd8: {  	[sflag:s0] =	ssyncadd.s32 @!p0 s1  }
0xd9: {  	[bflag:$0x3] =	sbarrier.arrive $0xFFFF  }
0xda: {  	_ =	shalt  }

</sc_bundles>
